<compile_context>
chip_gen: v7x
topology: tpu7x:2x2x1
jax: 0.10.2.dev20260603
libtpu: 0.0.44.dev20260713+nightly
codegen_flags: <defaults>
</compile_context>

<pallas_src>
import jax
import jax.numpy as jnp
from jax import lax
from jax.experimental import pallas as pl
from jax.experimental.pallas import tpu as pltpu
from jax.experimental.pallas import tpu_sc as plsc

_N_TOKEN = 1000000
_D = 128
_CUT = (0, 20000, 100000, 500000, 1000000)
_SCALE = float(_D) ** 0.5

_BLK = 4000

_NC = 2
_NS = 16
_NW = _NC * _NS
_B_TOTAL = 4096 * 200
_BPW = _B_TOTAL // _NW
_CH = 64
_NCHUNK = _BPW // _CH
_NSLOT = 8
_LA = 4
_NROUND = _NCHUNK // _NSLOT


def _proj_body(emb_ref, pjt_ref, u_ref, out_ref):
    del u_ref
    out_ref[...] = (
        jnp.dot(emb_ref[...], pjt_ref[...], preferred_element_type=jnp.float32)
        * _SCALE
    )


def _project_cluster(emb, pjt, unified, row_off):
    rows, d = emb.shape
    grid = (rows // _BLK,)
    off_blocks = row_off // _BLK
    return pl.pallas_call(
        _proj_body,
        grid=grid,
        in_specs=[
            pl.BlockSpec((_BLK, d), lambda b: (b, 0)),
            pl.BlockSpec((d, _D), lambda b: (0, 0)),
            pl.BlockSpec(memory_space=pltpu.MemorySpace.HBM),
        ],
        out_specs=pl.BlockSpec((_BLK, _D), lambda b, _o=off_blocks: (b + _o, 0)),
        out_shape=jax.ShapeDtypeStruct((_N_TOKEN, _D), jnp.float32),
        input_output_aliases={2: 0},
    )(emb, pjt, unified)


def _proj_body_first(emb_ref, pjt_ref, out_ref):
    out_ref[...] = (
        jnp.dot(emb_ref[...], pjt_ref[...], preferred_element_type=jnp.float32)
        * _SCALE
    )


def _project_first(emb, pjt):
    rows, d = emb.shape
    return pl.pallas_call(
        _proj_body_first,
        grid=(rows // _BLK,),
        in_specs=[
            pl.BlockSpec((_BLK, d), lambda b: (b, 0)),
            pl.BlockSpec((d, _D), lambda b: (0, 0)),
        ],
        out_specs=pl.BlockSpec((_BLK, _D), lambda b: (b, 0)),
        out_shape=jax.ShapeDtypeStruct((_N_TOKEN, _D), jnp.float32),
    )(emb, pjt)


def _gather_body(tab_hbm, idx_hbm, out_hbm, idx_v, rows_v, *sems):
    gsem = sems[:_NSLOT]
    wsem = sems[_NSLOT:]
    wid = lax.axis_index("s") * _NC + lax.axis_index("c")
    base = wid * _BPW

    pltpu.sync_copy(idx_hbm.at[pl.ds(base, _BPW)], idx_v)

    def g_copy(c, s):
        return pltpu.make_async_copy(
            tab_hbm.at[idx_v.at[pl.ds(c * _CH, _CH)]], rows_v.at[s], gsem[s]
        )

    def w_copy(c, s):
        return pltpu.make_async_copy(
            rows_v.at[s], out_hbm.at[pl.ds(base + c * _CH, _CH)], wsem[s]
        )

    for b in range(_LA):
        g_copy(b, b).start()

    for b in range(_NSLOT):
        p = b + _LA
        if p >= _NSLOT:
            w_copy(p - _NSLOT, p % _NSLOT).wait()
        g_copy(p, p % _NSLOT).start()
        g_copy(b, b).wait()
        w_copy(b, b).start()

    def round_body(r, carry):
        for b in range(_NSLOT):
            c = r * _NSLOT + b
            sp = (b + _LA) % _NSLOT
            w_copy(c + _LA - _NSLOT, sp).wait()
            g_copy(c + _LA, sp).start()
            g_copy(c, b).wait()
            w_copy(c, b).start()
        return carry

    lax.fori_loop(1, _NROUND - 1, round_body, 0)

    for b in range(_NSLOT):
        c = (_NROUND - 1) * _NSLOT + b
        if c + _LA < _NCHUNK:
            sp = (b + _LA) % _NSLOT
            w_copy(c + _LA - _NSLOT, sp).wait()
            g_copy(c + _LA, sp).start()
        g_copy(c, b).wait()
        w_copy(c, b).start()

    for b in range(_NSLOT):
        c = (_NROUND - 1) * _NSLOT + b
        w_copy(c, b).wait()


def _sc_gather(unified, idx):
    mesh = plsc.VectorSubcoreMesh(
        core_axis_name="c", subcore_axis_name="s",
        num_cores=_NC, num_subcores=_NS,
    )
    scratch = [
        pltpu.VMEM((_BPW,), jnp.int32),
        pltpu.VMEM((_NSLOT, _CH, _D), jnp.float32),
    ] + [pltpu.SemaphoreType.DMA] * (2 * _NSLOT)
    run = pl.kernel(
        _gather_body,
        out_type=jax.ShapeDtypeStruct((_B_TOTAL, _D), jnp.float32),
        mesh=mesh,
        scratch_types=scratch,
    )
    return run(unified, idx)


def kernel(inp, emb0, emb1, emb2, emb3, proj0, proj1, proj2, proj3):
    idx = inp.reshape(-1).astype(jnp.int32)
    unified = _project_first(emb0, proj0.T)
    unified = _project_cluster(emb1, proj1.T, unified, _CUT[1])
    unified = _project_cluster(emb2, proj2.T, unified, _CUT[2])
    unified = _project_cluster(emb3, proj3.T, unified, _CUT[3])
    out = _sc_gather(unified, idx)
    return out.reshape(inp.shape + (_D,))

# --- scband reference (transcript-rebuilt; emitter-appended) ---
"""Pipeline reference for scband-adaptive-embedding-59983513256529 (READ-ONLY COPY).

The authoritative reference and input builder live on the scoring server;
editing this copy changes nothing except your own understanding.
"""

import jax, jax.numpy as jnp
import numpy as np

N_TOKEN = 1000000
D_EMBED = 128
D_PROJ = 128
DIV_VAL = 4
CUTOFF_ENDS = [0, 20000, 100000, 500000, 1000000]
EMB_SCALE = D_PROJ ** 0.5


def setup_inputs(seed: int = 0) -> dict:
    key = jax.random.key(seed)
    ks = jax.random.split(key, 16)
    inp = jax.random.randint(ks[0], (4096, 200), 0, N_TOKEN, dtype=jnp.int64)
    d = {"inp": inp}
    for i in range(4):
        l, r = CUTOFF_ENDS[i], CUTOFF_ENDS[i + 1]
        d_emb_i = D_EMBED // (DIV_VAL ** i)
        d[f"emb{i}"] = jax.random.normal(ks[1 + 2 * i], (r - l, d_emb_i), dtype=jnp.float32) * 0.02
        d[f"proj{i}"] = jax.random.normal(ks[2 + 2 * i], (D_PROJ, d_emb_i), dtype=jnp.float32) * 0.02
    return d


def reference(inp, emb0, emb1, emb2, emb3, proj0, proj1, proj2, proj3):
    tables = [emb0, emb1, emb2, emb3]
    projs = [proj0, proj1, proj2, proj3]
    inp_flat = inp.reshape(-1)
    emb_flat = jnp.zeros((inp_flat.shape[0], D_PROJ), dtype=jnp.float32)
    for i in range(4):
        l, r = CUTOFF_ENDS[i], CUTOFF_ENDS[i + 1]
        mask_i = (inp_flat >= l) & (inp_flat < r)
        # clip to keep gather in-range; out-of-cluster rows are masked to zero,
        # which matches the torch index_copy_ semantics exactly.
        idx_i = jnp.clip(inp_flat - l, 0, r - l - 1)
        emb_i = jnp.take(tables[i], idx_i, axis=0)          # gather
        emb_i = emb_i @ projs[i].T                           # F.linear
        emb_flat = emb_flat + jnp.where(mask_i[:, None], emb_i, 0.0)
    embed = emb_flat.reshape(inp.shape + (D_PROJ,))
    return embed * EMB_SCALE

if __name__ == "__main__":
    import jax
    _d = setup_inputs()
    print(jax.jit(kernel)(*tuple(_d.values())))

</pallas_src>

<mosaic_0001>
#map = affine_map<(d0, d1) -> (0, 0)>
#map1 = affine_map<(d0, d1) -> (0)>
module attributes {stable_mosaic.version = 14 : i64} {
  func.func @_gather_body(%arg0: i32, %arg1: i32, %arg2: memref<1000000x128xf32, #tpu.memory_space<hbm>>, %arg3: memref<819200xi32, #tpu.memory_space<hbm>>, %arg4: memref<819200x128xf32, #tpu.memory_space<hbm>>, %arg5: memref<25600xi32, #tpu.memory_space<vmem>>, %arg6: memref<8x64x128xf32, #tpu.memory_space<vmem>>, %arg7: memref<!tpu.dma_semaphore, #tpu.memory_space<semaphore_mem>>, %arg8: memref<!tpu.dma_semaphore, #tpu.memory_space<semaphore_mem>>, %arg9: memref<!tpu.dma_semaphore, #tpu.memory_space<semaphore_mem>>, %arg10: memref<!tpu.dma_semaphore, #tpu.memory_space<semaphore_mem>>, %arg11: memref<!tpu.dma_semaphore, #tpu.memory_space<semaphore_mem>>, %arg12: memref<!tpu.dma_semaphore, #tpu.memory_space<semaphore_mem>>, %arg13: memref<!tpu.dma_semaphore, #tpu.memory_space<semaphore_mem>>, %arg14: memref<!tpu.dma_semaphore, #tpu.memory_space<semaphore_mem>>, %arg15: memref<!tpu.dma_semaphore, #tpu.memory_space<semaphore_mem>>, %arg16: memref<!tpu.dma_semaphore, #tpu.memory_space<semaphore_mem>>, %arg17: memref<!tpu.dma_semaphore, #tpu.memory_space<semaphore_mem>>, %arg18: memref<!tpu.dma_semaphore, #tpu.memory_space<semaphore_mem>>, %arg19: memref<!tpu.dma_semaphore, #tpu.memory_space<semaphore_mem>>, %arg20: memref<!tpu.dma_semaphore, #tpu.memory_space<semaphore_mem>>, %arg21: memref<!tpu.dma_semaphore, #tpu.memory_space<semaphore_mem>>, %arg22: memref<!tpu.dma_semaphore, #tpu.memory_space<semaphore_mem>>) attributes {dimension_semantics = [#tpu.dimension_semantics<core_parallel>, #tpu.dimension_semantics<subcore_parallel>], iteration_bounds = array<i64: 2, 16>, scalar_prefetch = 0 : i64, scratch_operands = 18 : i64, tpu.core_type = #tpu.core_type<sc_vector_subcore>, window_params = [{transform_indices = #map}, {transform_indices = #map1}, {transform_indices = #map}]} {
    %mul3A = arith.constant 2 : i32
    %mul3A_0 = arith.muli %arg1, %mul3A : i32
    %add3A = arith.addi %mul3A_0, %arg0 : i32
    %mul3A_1 = arith.constant 25600 : i32
    %mul3A_2 = arith.muli %add3A, %mul3A_1 : i32
    "tpu.region"() ({
      %run_scoped3A = tpu.sem_alloc : memref<!tpu.dma_semaphore, #tpu.memory_space<semaphore_mem>>
      %dma_start3A_806 = tpu.memref_slice %arg3[%mul3A_2] : memref<819200xi32, #tpu.memory_space<hbm>> -> memref<25600xi32, #tpu.memory_space<hbm>>
      %dma_start3A_807 = tpu.memref_slice %arg3[%mul3A_2] : memref<819200xi32, #tpu.memory_space<hbm>> -> memref<25600xi32, #tpu.memory_space<hbm>>
      tpu.enqueue_dma source(%dma_start3A_807 : memref<25600xi32, #tpu.memory_space<hbm>>) target(%arg5 : memref<25600xi32, #tpu.memory_space<vmem>>) target_semaphore(%run_scoped3A : memref<!tpu.dma_semaphore, #tpu.memory_space<semaphore_mem>>)
      %dma_wait3A_808 = tpu.memref_slice %arg3[%mul3A_2] : memref<819200xi32, #tpu.memory_space<hbm>> -> memref<25600xi32, #tpu.memory_space<hbm>>
      %dma_wait3A_809 = tpu.memref_slice %arg3[%mul3A_2] : memref<819200xi32, #tpu.memory_space<hbm>> -> memref<25600xi32, #tpu.memory_space<hbm>>
      tpu.wait_dma2 semaphore(%run_scoped3A : memref<!tpu.dma_semaphore, #tpu.memory_space<semaphore_mem>>) src(%dma_wait3A_809 : memref<25600xi32, #tpu.memory_space<hbm>>) dst(%arg5 : memref<25600xi32, #tpu.memory_space<vmem>>)
      tpu.yield
    }) : () -> ()
    %dma_start3A = arith.constant 0 : i32
    %dma_start3A_3 = arith.constant 0 : i32
    %dma_start3A_4 = arith.constant 0 : i32
    %dma_start3A_5 = tpu.memref_slice %arg6[%dma_start3A, %dma_start3A_3, %dma_start3A_4] : memref<8x64x128xf32, #tpu.memory_space<vmem>> -> memref<1x64x128xf32, #tpu.memory_space<vmem>>
    %dma_start3A_6 = tpu.memref_squeeze %dma_start3A_5 : memref<1x64x128xf32, #tpu.memory_space<vmem>> -> memref<64x128xf32, #tpu.memory_space<vmem>>
    %dma_start3A_7 = arith.constant 0 : i32
    %dma_start3A_8 = tpu.memref_slice %arg5[%dma_start3A_7] : memref<25600xi32, #tpu.memory_space<vmem>> -> memref<64xi32, #tpu.memory_space<vmem>>
    %dma_start3A_9 = arith.constant 0 : i32
    %dma_start3A_10 = arith.constant 0 : i32
    %dma_start3A_11 = tpu.memref_slice %arg2[%dma_start3A_9, %dma_start3A_10] : memref<1000000x128xf32, #tpu.memory_space<hbm>> -> memref<1000000x128xf32, #tpu.memory_space<hbm>>
    tpu.enqueue_indirect_dma source(%dma_start3A_11 : memref<1000000x128xf32, #tpu.memory_space<hbm>>) target(%dma_start3A_6 : memref<64x128xf32, #tpu.memory_space<vmem>>) offsets(%dma_start3A_8 : memref<64xi32, #tpu.memory_space<vmem>>) semaphore(%arg7 : memref<!tpu.dma_semaphore, #tpu.memory_space<semaphore_mem>>)
    %dma_start3A_12 = arith.constant 1 : i32
    %dma_start3A_13 = arith.constant 0 : i32
    %dma_start3A_14 = arith.constant 0 : i32
    %dma_start3A_15 = tpu.memref_slice %arg6[%dma_start3A_12, %dma_start3A_13, %dma_start3A_14] : memref<8x64x128xf32, #tpu.memory_space<vmem>> -> memref<1x64x128xf32, #tpu.memory_space<vmem>>
    %dma_start3A_16 = tpu.memref_squeeze %dma_start3A_15 : memref<1x64x128xf32, #tpu.memory_space<vmem>> -> memref<64x128xf32, #tpu.memory_space<vmem>>
    %dma_start3A_17 = arith.constant 64 : i32
    %dma_start3A_18 = tpu.memref_slice %arg5[%dma_start3A_17] : memref<25600xi32, #tpu.memory_space<vmem>> -> memref<64xi32, #tpu.memory_space<vmem>>
    %dma_start3A_19 = arith.constant 0 : i32
    %dma_start3A_20 = arith.constant 0 : i32
    %dma_start3A_21 = tpu.memref_slice %arg2[%dma_start3A_19, %dma_start3A_20] : memref<1000000x128xf32, #tpu.memory_space<hbm>> -> memref<1000000x128xf32, #tpu.memory_space<hbm>>
    tpu.enqueue_indirect_dma source(%dma_start3A_21 : memref<1000000x128xf32, #tpu.memory_space<hbm>>) target(%dma_start3A_16 : memref<64x128xf32, #tpu.memory_space<vmem>>) offsets(%dma_start3A_18 : memref<64xi32, #tpu.memory_space<vmem>>) semaphore(%arg8 : memref<!tpu.dma_semaphore, #tpu.memory_space<semaphore_mem>>)
    %dma_start3A_22 = arith.constant 2 : i32
    %dma_start3A_23 = arith.constant 0 : i32
    %dma_start3A_24 = arith.constant 0 : i32
    %dma_start3A_25 = tpu.memref_slice %arg6[%dma_start3A_22, %dma_start3A_23, %dma_start3A_24] : memref<8x64x128xf32, #tpu.memory_space<vmem>> -> memref<1x64x128xf32, #tpu.memory_space<vmem>>
    %dma_start3A_26 = tpu.memref_squeeze %dma_start3A_25 : memref<1x64x128xf32, #tpu.memory_space<vmem>> -> memref<64x128xf32, #tpu.memory_space<vmem>>
    %dma_start3A_27 = arith.constant 128 : i32
    %dma_start3A_28 = tpu.memref_slice %arg5[%dma_start3A_27] : memref<25600xi32, #tpu.memory_space<vmem>> -> memref<64xi32, #tpu.memory_space<vmem>>
    %dma_start3A_29 = arith.constant 0 : i32
    %dma_start3A_30 = arith.constant 0 : i32
    %dma_start3A_31 = tpu.memref_slice %arg2[%dma_start3A_29, %dma_start3A_30] : memref<1000000x128xf32, #tpu.memory_space<hbm>> -> memref<1000000x128xf32, #tpu.memory_space<hbm>>
    tpu.enqueue_indirect_dma source(%dma_start3A_31 : memref<1000000x128xf32, #tpu.memory_space<hbm>>) target(%dma_start3A_26 : memref<64x128xf32, #tpu.memory_space<vmem>>) offsets(%dma_start3A_28 : memref<64xi32, #tpu.memory_space<vmem>>) semaphore(%arg9 : memref<!tpu.dma_semaphore, #tpu.memory_space<semaphore_mem>>)
    %dma_start3A_32 = arith.constant 3 : i32
    %dma_start3A_33 = arith.constant 0 : i32
    %dma_start3A_34 = arith.constant 0 : i32
    %dma_start3A_35 = tpu.memref_slice %arg6[%dma_start3A_32, %dma_start3A_33, %dma_start3A_34] : memref<8x64x128xf32, #tpu.memory_space<vmem>> -> memref<1x64x128xf32, #tpu.memory_space<vmem>>
    %dma_start3A_36 = tpu.memref_squeeze %dma_start3A_35 : memref<1x64x128xf32, #tpu.memory_space<vmem>> -> memref<64x128xf32, #tpu.memory_space<vmem>>
    %dma_start3A_37 = arith.constant 192 : i32
    %dma_start3A_38 = tpu.memref_slice %arg5[%dma_start3A_37] : memref<25600xi32, #tpu.memory_space<vmem>> -> memref<64xi32, #tpu.memory_space<vmem>>
    %dma_start3A_39 = arith.constant 0 : i32
    %dma_start3A_40 = arith.constant 0 : i32
    %dma_start3A_41 = tpu.memref_slice %arg2[%dma_start3A_39, %dma_start3A_40] : memref<1000000x128xf32, #tpu.memory_space<hbm>> -> memref<1000000x128xf32, #tpu.memory_space<hbm>>
    tpu.enqueue_indirect_dma source(%dma_start3A_41 : memref<1000000x128xf32, #tpu.memory_space<hbm>>) target(%dma_start3A_36 : memref<64x128xf32, #tpu.memory_space<vmem>>) offsets(%dma_start3A_38 : memref<64xi32, #tpu.memory_space<vmem>>) semaphore(%arg10 : memref<!tpu.dma_semaphore, #tpu.memory_space<semaphore_mem>>)
    %dma_start3A_42 = arith.constant 4 : i32
    %dma_start3A_43 = arith.constant 0 : i32
    %dma_start3A_44 = arith.constant 0 : i32
    %dma_start3A_45 = tpu.memref_slice %arg6[%dma_start3A_42, %dma_start3A_43, %dma_start3A_44] : memref<8x64x128xf32, #tpu.memory_space<vmem>> -> memref<1x64x128xf32, #tpu.memory_space<vmem>>
    %dma_start3A_46 = tpu.memref_squeeze %dma_start3A_45 : memref<1x64x128xf32, #tpu.memory_space<vmem>> -> memref<64x128xf32, #tpu.memory_space<vmem>>
    %dma_start3A_47 = arith.constant 256 : i32
    %dma_start3A_48 = tpu.memref_slice %arg5[%dma_start3A_47] : memref<25600xi32, #tpu.memory_space<vmem>> -> memref<64xi32, #tpu.memory_space<vmem>>
    %dma_start3A_49 = arith.constant 0 : i32
    %dma_start3A_50 = arith.constant 0 : i32
    %dma_start3A_51 = tpu.memref_slice %arg2[%dma_start3A_49, %dma_start3A_50] : memref<1000000x128xf32, #tpu.memory_space<hbm>> -> memref<1000000x128xf32, #tpu.memory_space<hbm>>
    tpu.enqueue_indirect_dma source(%dma_start3A_51 : memref<1000000x128xf32, #tpu.memory_space<hbm>>) target(%dma_start3A_46 : memref<64x128xf32, #tpu.memory_space<vmem>>) offsets(%dma_start3A_48 : memref<64xi32, #tpu.memory_space<vmem>>) semaphore(%arg11 : memref<!tpu.dma_semaphore, #tpu.memory_space<semaphore_mem>>)
    %dma_wait3A = arith.constant 0 : i32
    %dma_wait3A_52 = arith.constant 0 : i32
    %dma_wait3A_53 = arith.constant 0 : i32
    %dma_wait3A_54 = tpu.memref_slice %arg6[%dma_wait3A, %dma_wait3A_52, %dma_wait3A_53] : memref<8x64x128xf32, #tpu.memory_space<vmem>> -> memref<1x64x128xf32, #tpu.memory_space<vmem>>
    %dma_wait3A_55 = tpu.memref_squeeze %dma_wait3A_54 : memref<1x64x128xf32, #tpu.memory_space<vmem>> -> memref<64x128xf32, #tpu.memory_space<vmem>>
    %dma_wait3A_56 = arith.constant 0 : i32
    %dma_wait3A_57 = tpu.memref_slice %arg5[%dma_wait3A_56] : memref<25600xi32, #tpu.memory_space<vmem>> -> memref<64xi32, #tpu.memory_space<vmem>>
    %dma_wait3A_58 = arith.constant 0 : i32
    %dma_wait3A_59 = arith.constant 0 : i32
    %dma_wait3A_60 = tpu.memref_slice %arg2[%dma_wait3A_58, %dma_wait3A_59] : memref<1000000x128xf32, #tpu.memory_space<hbm>> -> memref<1000000x128xf32, #tpu.memory_space<hbm>>
    tpu.wait_indirect_dma semaphore(%arg7 : memref<!tpu.dma_semaphore, #tpu.memory_space<semaphore_mem>>) src(%dma_wait3A_60 : memref<1000000x128xf32, #tpu.memory_space<hbm>>) dst(%dma_wait3A_55 : memref<64x128xf32, #tpu.memory_space<vmem>>)
    %add3A_61 = arith.constant 0 : i32
    %add3A_62 = arith.addi %mul3A_2, %add3A_61 : i32
    %dma_start3A_63 = arith.constant 0 : i32
    %dma_start3A_64 = arith.constant 0 : i32
    %dma_start3A_65 = arith.constant 0 : i32
    %dma_start3A_66 = tpu.memref_slice %arg6[%dma_start3A_63, %dma_start3A_64, %dma_start3A_65] : memref<8x64x128xf32, #tpu.memory_space<vmem>> -> memref<1x64x128xf32, #tpu.memory_space<vmem>>
    %dma_start3A_67 = tpu.memref_squeeze %dma_start3A_66 : memref<1x64x128xf32, #tpu.memory_space<vmem>> -> memref<64x128xf32, #tpu.memory_space<vmem>>
    %dma_start3A_68 = arith.constant 0 : i32
    %dma_start3A_69 = tpu.memref_slice %arg4[%add3A_62, %dma_start3A_68] : memref<819200x128xf32, #tpu.memory_space<hbm>> -> memref<64x128xf32, #tpu.memory_space<hbm>>
    %dma_start3A_70 = arith.constant 0 : i32
    %dma_start3A_71 = tpu.memref_slice %arg4[%add3A_62, %dma_start3A_70] : memref<819200x128xf32, #tpu.memory_space<hbm>> -> memref<64x128xf32, #tpu.memory_space<hbm>>
    %dma_start3A_72 = arith.constant 0 : i32
    %dma_start3A_73 = arith.constant 0 : i32
    %dma_start3A_74 = tpu.memref_slice %arg6[%dma_start3A_63, %dma_start3A_72, %dma_start3A_73] : memref<8x64x128xf32, #tpu.memory_space<vmem>> -> memref<1x64x128xf32, #tpu.memory_space<vmem>>
    %dma_start3A_75 = tpu.memref_squeeze %dma_start3A_74 : memref<1x64x128xf32, #tpu.memory_space<vmem>> -> memref<64x128xf32, #tpu.memory_space<vmem>>
    tpu.enqueue_dma source(%dma_start3A_75 : memref<64x128xf32, #tpu.memory_space<vmem>>) target(%dma_start3A_71 : memref<64x128xf32, #tpu.memory_space<hbm>>) target_semaphore(%arg15 : memref<!tpu.dma_semaphore, #tpu.memory_space<semaphore_mem>>)
    %dma_start3A_76 = arith.constant 5 : i32
    %dma_start3A_77 = arith.constant 0 : i32
    %dma_start3A_78 = arith.constant 0 : i32
    %dma_start3A_79 = tpu.memref_slice %arg6[%dma_start3A_76, %dma_start3A_77, %dma_start3A_78] : memref<8x64x128xf32, #tpu.memory_space<vmem>> -> memref<1x64x128xf32, #tpu.memory_space<vmem>>
    %dma_start3A_80 = tpu.memref_squeeze %dma_start3A_79 : memref<1x64x128xf32, #tpu.memory_space<vmem>> -> memref<64x128xf32, #tpu.memory_space<vmem>>
    %dma_start3A_81 = arith.constant 320 : i32
    %dma_start3A_82 = tpu.memref_slice %arg5[%dma_start3A_81] : memref<25600xi32, #tpu.memory_space<vmem>> -> memref<64xi32, #tpu.memory_space<vmem>>
    %dma_start3A_83 = arith.constant 0 : i32
    %dma_start3A_84 = arith.constant 0 : i32
    %dma_start3A_85 = tpu.memref_slice %arg2[%dma_start3A_83, %dma_start3A_84] : memref<1000000x128xf32, #tpu.memory_space<hbm>> -> memref<1000000x128xf32, #tpu.memory_space<hbm>>
    tpu.enqueue_indirect_dma source(%dma_start3A_85 : memref<1000000x128xf32, #tpu.memory_space<hbm>>) target(%dma_start3A_80 : memref<64x128xf32, #tpu.memory_space<vmem>>) offsets(%dma_start3A_82 : memref<64xi32, #tpu.memory_space<vmem>>) semaphore(%arg12 : memref<!tpu.dma_semaphore, #tpu.memory_space<semaphore_mem>>)
    %dma_wait3A_86 = arith.constant 1 : i32
    %dma_wait3A_87 = arith.constant 0 : i32
    %dma_wait3A_88 = arith.constant 0 : i32
    %dma_wait3A_89 = tpu.memref_slice %arg6[%dma_wait3A_86, %dma_wait3A_87, %dma_wait3A_88] : memref<8x64x128xf32, #tpu.memory_space<vmem>> -> memref<1x64x128xf32, #tpu.memory_space<vmem>>
    %dma_wait3A_90 = tpu.memref_squeeze %dma_wait3A_89 : memref<1x64x128xf32, #tpu.memory_space<vmem>> -> memref<64x128xf32, #tpu.memory_space<vmem>>
    %dma_wait3A_91 = arith.constant 64 : i32
    %dma_wait3A_92 = tpu.memref_slice %arg5[%dma_wait3A_91] : memref<25600xi32, #tpu.memory_space<vmem>> -> memref<64xi32, #tpu.memory_space<vmem>>
    %dma_wait3A_93 = arith.constant 0 : i32
    %dma_wait3A_94 = arith.constant 0 : i32
    %dma_wait3A_95 = tpu.memref_slice %arg2[%dma_wait3A_93, %dma_wait3A_94] : memref<1000000x128xf32, #tpu.memory_space<hbm>> -> memref<1000000x128xf32, #tpu.memory_space<hbm>>
    tpu.wait_indirect_dma semaphore(%arg8 : memref<!tpu.dma_semaphore, #tpu.memory_space<semaphore_mem>>) src(%dma_wait3A_95 : memref<1000000x128xf32, #tpu.memory_space<hbm>>) dst(%dma_wait3A_90 : memref<64x128xf32, #tpu.memory_space<vmem>>)
    %add3A_96 = arith.constant 64 : i32
    %add3A_97 = arith.addi %mul3A_2, %add3A_96 : i32
    %dma_start3A_98 = arith.constant 1 : i32
    %dma_start3A_99 = arith.constant 0 : i32
    %dma_start3A_100 = arith.constant 0 : i32
    %dma_start3A_101 = tpu.memref_slice %arg6[%dma_start3A_98, %dma_start3A_99, %dma_start3A_100] : memref<8x64x128xf32, #tpu.memory_space<vmem>> -> memref<1x64x128xf32, #tpu.memory_space<vmem>>
    %dma_start3A_102 = tpu.memref_squeeze %dma_start3A_101 : memref<1x64x128xf32, #tpu.memory_space<vmem>> -> memref<64x128xf32, #tpu.memory_space<vmem>>
    %dma_start3A_103 = arith.constant 0 : i32
    %dma_start3A_104 = tpu.memref_slice %arg4[%add3A_97, %dma_start3A_103] : memref<819200x128xf32, #tpu.memory_space<hbm>> -> memref<64x128xf32, #tpu.memory_space<hbm>>
    %dma_start3A_105 = arith.constant 0 : i32
    %dma_start3A_106 = tpu.memref_slice %arg4[%add3A_97, %dma_start3A_105] : memref<819200x128xf32, #tpu.memory_space<hbm>> -> memref<64x128xf32, #tpu.memory_space<hbm>>
    %dma_start3A_107 = arith.constant 0 : i32
    %dma_start3A_108 = arith.constant 0 : i32
    %dma_start3A_109 = tpu.memref_slice %arg6[%dma_start3A_98, %dma_start3A_107, %dma_start3A_108] : memref<8x64x128xf32, #tpu.memory_space<vmem>> -> memref<1x64x128xf32, #tpu.memory_space<vmem>>
    %dma_start3A_110 = tpu.memref_squeeze %dma_start3A_109 : memref<1x64x128xf32, #tpu.memory_space<vmem>> -> memref<64x128xf32, #tpu.memory_space<vmem>>
    tpu.enqueue_dma source(%dma_start3A_110 : memref<64x128xf32, #tpu.memory_space<vmem>>) target(%dma_start3A_106 : memref<64x128xf32, #tpu.memory_space<hbm>>) target_semaphore(%arg16 : memref<!tpu.dma_semaphore, #tpu.memory_space<semaphore_mem>>)
    %dma_start3A_111 = arith.constant 6 : i32
    %dma_start3A_112 = arith.constant 0 : i32
    %dma_start3A_113 = arith.constant 0 : i32
    %dma_start3A_114 = tpu.memref_slice %arg6[%dma_start3A_111, %dma_start3A_112, %dma_start3A_113] : memref<8x64x128xf32, #tpu.memory_space<vmem>> -> memref<1x64x128xf32, #tpu.memory_space<vmem>>
    %dma_start3A_115 = tpu.memref_squeeze %dma_start3A_114 : memref<1x64x128xf32, #tpu.memory_space<vmem>> -> memref<64x128xf32, #tpu.memory_space<vmem>>
    %dma_start3A_116 = arith.constant 384 : i32
    %dma_start3A_117 = tpu.memref_slice %arg5[%dma_start3A_116] : memref<25600xi32, #tpu.memory_space<vmem>> -> memref<64xi32, #tpu.memory_space<vmem>>
    %dma_start3A_118 = arith.constant 0 : i32
    %dma_start3A_119 = arith.constant 0 : i32
    %dma_start3A_120 = tpu.memref_slice %arg2[%dma_start3A_118, %dma_start3A_119] : memref<1000000x128xf32, #tpu.memory_space<hbm>> -> memref<1000000x128xf32, #tpu.memory_space<hbm>>
    tpu.enqueue_indirect_dma source(%dma_start3A_120 : memref<1000000x128xf32, #tpu.memory_space<hbm>>) target(%dma_start3A_115 : memref<64x128xf32, #tpu.memory_space<vmem>>) offsets(%dma_start3A_117 : memref<64xi32, #tpu.memory_space<vmem>>) semaphore(%arg13 : memref<!tpu.dma_semaphore, #tpu.memory_space<semaphore_mem>>)
    %dma_wait3A_121 = arith.constant 2 : i32
    %dma_wait3A_122 = arith.constant 0 : i32
    %dma_wait3A_123 = arith.constant 0 : i32
    %dma_wait3A_124 = tpu.memref_slice %arg6[%dma_wait3A_121, %dma_wait3A_122, %dma_wait3A_123] : memref<8x64x128xf32, #tpu.memory_space<vmem>> -> memref<1x64x128xf32, #tpu.memory_space<vmem>>
    %dma_wait3A_125 = tpu.memref_squeeze %dma_wait3A_124 : memref<1x64x128xf32, #tpu.memory_space<vmem>> -> memref<64x128xf32, #tpu.memory_space<vmem>>
    %dma_wait3A_126 = arith.constant 128 : i32
    %dma_wait3A_127 = tpu.memref_slice %arg5[%dma_wait3A_126] : memref<25600xi32, #tpu.memory_space<vmem>> -> memref<64xi32, #tpu.memory_space<vmem>>
    %dma_wait3A_128 = arith.constant 0 : i32
    %dma_wait3A_129 = arith.constant 0 : i32
    %dma_wait3A_130 = tpu.memref_slice %arg2[%dma_wait3A_128, %dma_wait3A_129] : memref<1000000x128xf32, #tpu.memory_space<hbm>> -> memref<1000000x128xf32, #tpu.memory_space<hbm>>
    tpu.wait_indirect_dma semaphore(%arg9 : memref<!tpu.dma_semaphore, #tpu.memory_space<semaphore_mem>>) src(%dma_wait3A_130 : memref<1000000x128xf32, #tpu.memory_space<hbm>>) dst(%dma_wait3A_125 : memref<64x128xf32, #tpu.memory_space<vmem>>)
    %add3A_131 = arith.constant 128 : i32
    %add3A_132 = arith.addi %mul3A_2, %add3A_131 : i32
    %dma_start3A_133 = arith.constant 2 : i32
    %dma_start3A_134 = arith.constant 0 : i32
    %dma_start3A_135 = arith.constant 0 : i32
    %dma_start3A_136 = tpu.memref_slice %arg6[%dma_start3A_133, %dma_start3A_134, %dma_start3A_135] : memref<8x64x128xf32, #tpu.memory_space<vmem>> -> memref<1x64x128xf32, #tpu.memory_space<vmem>>
    %dma_start3A_137 = tpu.memref_squeeze %dma_start3A_136 : memref<1x64x128xf32, #tpu.memory_space<vmem>> -> memref<64x128xf32, #tpu.memory_space<vmem>>
    %dma_start3A_138 = arith.constant 0 : i32
    %dma_start3A_139 = tpu.memref_slice %arg4[%add3A_132, %dma_start3A_138] : memref<819200x128xf32, #tpu.memory_space<hbm>> -> memref<64x128xf32, #tpu.memory_space<hbm>>
    %dma_start3A_140 = arith.constant 0 : i32
    %dma_start3A_141 = tpu.memref_slice %arg4[%add3A_132, %dma_start3A_140] : memref<819200x128xf32, #tpu.memory_space<hbm>> -> memref<64x128xf32, #tpu.memory_space<hbm>>
    %dma_start3A_142 = arith.constant 0 : i32
    %dma_start3A_143 = arith.constant 0 : i32
    %dma_start3A_144 = tpu.memref_slice %arg6[%dma_start3A_133, %dma_start3A_142, %dma_start3A_143] : memref<8x64x128xf32, #tpu.memory_space<vmem>> -> memref<1x64x128xf32, #tpu.memory_space<vmem>>
    %dma_start3A_145 = tpu.memref_squeeze %dma_start3A_144 : memref<1x64x128xf32, #tpu.memory_space<vmem>> -> memref<64x128xf32, #tpu.memory_space<vmem>>
    tpu.enqueue_dma source(%dma_start3A_145 : memref<64x128xf32, #tpu.memory_space<vmem>>) target(%dma_start3A_141 : memref<64x128xf32, #tpu.memory_space<hbm>>) target_semaphore(%arg17 : memref<!tpu.dma_semaphore, #tpu.memory_space<semaphore_mem>>)
    %dma_start3A_146 = arith.constant 7 : i32
    %dma_start3A_147 = arith.constant 0 : i32
    %dma_start3A_148 = arith.constant 0 : i32
    %dma_start3A_149 = tpu.memref_slice %arg6[%dma_start3A_146, %dma_start3A_147, %dma_start3A_148] : memref<8x64x128xf32, #tpu.memory_space<vmem>> -> memref<1x64x128xf32, #tpu.memory_space<vmem>>
    %dma_start3A_150 = tpu.memref_squeeze %dma_start3A_149 : memref<1x64x128xf32, #tpu.memory_space<vmem>> -> memref<64x128xf32, #tpu.memory_space<vmem>>
    %dma_start3A_151 = arith.constant 448 : i32
    %dma_start3A_152 = tpu.memref_slice %arg5[%dma_start3A_151] : memref<25600xi32, #tpu.memory_space<vmem>> -> memref<64xi32, #tpu.memory_space<vmem>>
    %dma_start3A_153 = arith.constant 0 : i32
    %dma_start3A_154 = arith.constant 0 : i32
    %dma_start3A_155 = tpu.memref_slice %arg2[%dma_start3A_153, %dma_start3A_154] : memref<1000000x128xf32, #tpu.memory_space<hbm>> -> memref<1000000x128xf32, #tpu.memory_space<hbm>>
    tpu.enqueue_indirect_dma source(%dma_start3A_155 : memref<1000000x128xf32, #tpu.memory_space<hbm>>) target(%dma_start3A_150 : memref<64x128xf32, #tpu.memory_space<vmem>>) offsets(%dma_start3A_152 : memref<64xi32, #tpu.memory_space<vmem>>) semaphore(%arg14 : memref<!tpu.dma_semaphore, #tpu.memory_space<semaphore_mem>>)
    %dma_wait3A_156 = arith.constant 3 : i32
    %dma_wait3A_157 = arith.constant 0 : i32
    %dma_wait3A_158 = arith.constant 0 : i32
    %dma_wait3A_159 = tpu.memref_slice %arg6[%dma_wait3A_156, %dma_wait3A_157, %dma_wait3A_158] : memref<8x64x128xf32, #tpu.memory_space<vmem>> -> memref<1x64x128xf32, #tpu.memory_space<vmem>>
    %dma_wait3A_160 = tpu.memref_squeeze %dma_wait3A_159 : memref<1x64x128xf32, #tpu.memory_space<vmem>> -> memref<64x128xf32, #tpu.memory_space<vmem>>
    %dma_wait3A_161 = arith.constant 192 : i32
    %dma_wait3A_162 = tpu.memref_slice %arg5[%dma_wait3A_161] : memref<25600xi32, #tpu.memory_space<vmem>> -> memref<64xi32, #tpu.memory_space<vmem>>
    %dma_wait3A_163 = arith.constant 0 : i32
    %dma_wait3A_164 = arith.constant 0 : i32
    %dma_wait3A_165 = tpu.memref_slice %arg2[%dma_wait3A_163, %dma_wait3A_164] : memref<1000000x128xf32, #tpu.memory_space<hbm>> -> memref<1000000x128xf32, #tpu.memory_space<hbm>>
    tpu.wait_indirect_dma semaphore(%arg10 : memref<!tpu.dma_semaphore, #tpu.memory_space<semaphore_mem>>) src(%dma_wait3A_165 : memref<1000000x128xf32, #tpu.memory_space<hbm>>) dst(%dma_wait3A_160 : memref<64x128xf32, #tpu.memory_space<vmem>>)
    %add3A_166 = arith.constant 192 : i32
    %add3A_167 = arith.addi %mul3A_2, %add3A_166 : i32
    %dma_start3A_168 = arith.constant 3 : i32
    %dma_start3A_169 = arith.constant 0 : i32
    %dma_start3A_170 = arith.constant 0 : i32
    %dma_start3A_171 = tpu.memref_slice %arg6[%dma_start3A_168, %dma_start3A_169, %dma_start3A_170] : memref<8x64x128xf32, #tpu.memory_space<vmem>> -> memref<1x64x128xf32, #tpu.memory_space<vmem>>
    %dma_start3A_172 = tpu.memref_squeeze %dma_start3A_171 : memref<1x64x128xf32, #tpu.memory_space<vmem>> -> memref<64x128xf32, #tpu.memory_space<vmem>>
    %dma_start3A_173 = arith.constant 0 : i32
    %dma_start3A_174 = tpu.memref_slice %arg4[%add3A_167, %dma_start3A_173] : memref<819200x128xf32, #tpu.memory_space<hbm>> -> memref<64x128xf32, #tpu.memory_space<hbm>>
    %dma_start3A_175 = arith.constant 0 : i32
    %dma_start3A_176 = tpu.memref_slice %arg4[%add3A_167, %dma_start3A_175] : memref<819200x128xf32, #tpu.memory_space<hbm>> -> memref<64x128xf32, #tpu.memory_space<hbm>>
    %dma_start3A_177 = arith.constant 0 : i32
    %dma_start3A_178 = arith.constant 0 : i32
    %dma_start3A_179 = tpu.memref_slice %arg6[%dma_start3A_168, %dma_start3A_177, %dma_start3A_178] : memref<8x64x128xf32, #tpu.memory_space<vmem>> -> memref<1x64x128xf32, #tpu.memory_space<vmem>>
    %dma_start3A_180 = tpu.memref_squeeze %dma_start3A_179 : memref<1x64x128xf32, #tpu.memory_space<vmem>> -> memref<64x128xf32, #tpu.memory_space<vmem>>
    tpu.enqueue_dma source(%dma_start3A_180 : memref<64x128xf32, #tpu.memory_space<vmem>>) target(%dma_start3A_176 : memref<64x128xf32, #tpu.memory_space<hbm>>) target_semaphore(%arg18 : memref<!tpu.dma_semaphore, #tpu.memory_space<semaphore_mem>>)
    %add3A_181 = arith.constant 0 : i32
    %add3A_182 = arith.addi %mul3A_2, %add3A_181 : i32
    %dma_wait3A_183 = arith.constant 0 : i32
    %dma_wait3A_184 = arith.constant 0 : i32
    %dma_wait3A_185 = arith.constant 0 : i32
    %dma_wait3A_186 = tpu.memref_slice %arg6[%dma_wait3A_183, %dma_wait3A_184, %dma_wait3A_185] : memref<8x64x128xf32, #tpu.memory_space<vmem>> -> memref<1x64x128xf32, #tpu.memory_space<vmem>>
    %dma_wait3A_187 = tpu.memref_squeeze %dma_wait3A_186 : memref<1x64x128xf32, #tpu.memory_space<vmem>> -> memref<64x128xf32, #tpu.memory_space<vmem>>
    %dma_wait3A_188 = arith.constant 0 : i32
    %dma_wait3A_189 = tpu.memref_slice %arg4[%add3A_182, %dma_wait3A_188] : memref<819200x128xf32, #tpu.memory_space<hbm>> -> memref<64x128xf32, #tpu.memory_space<hbm>>
    %dma_wait3A_190 = arith.constant 0 : i32
    %dma_wait3A_191 = tpu.memref_slice %arg4[%add3A_182, %dma_wait3A_190] : memref<819200x128xf32, #tpu.memory_space<hbm>> -> memref<64x128xf32, #tpu.memory_space<hbm>>
    %dma_wait3A_192 = arith.constant 0 : i32
    %dma_wait3A_193 = arith.constant 0 : i32
    %dma_wait3A_194 = tpu.memref_slice %arg6[%dma_wait3A_183, %dma_wait3A_192, %dma_wait3A_193] : memref<8x64x128xf32, #tpu.memory_space<vmem>> -> memref<1x64x128xf32, #tpu.memory_space<vmem>>
    %dma_wait3A_195 = tpu.memref_squeeze %dma_wait3A_194 : memref<1x64x128xf32, #tpu.memory_space<vmem>> -> memref<64x128xf32, #tpu.memory_space<vmem>>
    tpu.wait_dma2 semaphore(%arg15 : memref<!tpu.dma_semaphore, #tpu.memory_space<semaphore_mem>>) src(%dma_wait3A_195 : memref<64x128xf32, #tpu.memory_space<vmem>>) dst(%dma_wait3A_191 : memref<64x128xf32, #tpu.memory_space<hbm>>)
    %dma_start3A_196 = arith.constant 0 : i32
    %dma_start3A_197 = arith.constant 0 : i32
    %dma_start3A_198 = arith.constant 0 : i32
    %dma_start3A_199 = tpu.memref_slice %arg6[%dma_start3A_196, %dma_start3A_197, %dma_start3A_198] : memref<8x64x128xf32, #tpu.memory_space<vmem>> -> memref<1x64x128xf32, #tpu.memory_space<vmem>>
    %dma_start3A_200 = tpu.memref_squeeze %dma_start3A_199 : memref<1x64x128xf32, #tpu.memory_space<vmem>> -> memref<64x128xf32, #tpu.memory_space<vmem>>
    %dma_start3A_201 = arith.constant 512 : i32
    %dma_start3A_202 = tpu.memref_slice %arg5[%dma_start3A_201] : memref<25600xi32, #tpu.memory_space<vmem>> -> memref<64xi32, #tpu.memory_space<vmem>>
    %dma_start3A_203 = arith.constant 0 : i32
    %dma_start3A_204 = arith.constant 0 : i32
    %dma_start3A_205 = tpu.memref_slice %arg2[%dma_start3A_203, %dma_start3A_204] : memref<1000000x128xf32, #tpu.memory_space<hbm>> -> memref<1000000x128xf32, #tpu.memory_space<hbm>>
    tpu.enqueue_indirect_dma source(%dma_start3A_205 : memref<1000000x128xf32, #tpu.memory_space<hbm>>) target(%dma_start3A_200 : memref<64x128xf32, #tpu.memory_space<vmem>>) offsets(%dma_start3A_202 : memref<64xi32, #tpu.memory_space<vmem>>) semaphore(%arg7 : memref<!tpu.dma_semaphore, #tpu.memory_space<semaphore_mem>>)
    %dma_wait3A_206 = arith.constant 4 : i32
    %dma_wait3A_207 = arith.constant 0 : i32
    %dma_wait3A_208 = arith.constant 0 : i32
    %dma_wait3A_209 = tpu.memref_slice %arg6[%dma_wait3A_206, %dma_wait3A_207, %dma_wait3A_208] : memref<8x64x128xf32, #tpu.memory_space<vmem>> -> memref<1x64x128xf32, #tpu.memory_space<vmem>>
    %dma_wait3A_210 = tpu.memref_squeeze %dma_wait3A_209 : memref<1x64x128xf32, #tpu.memory_space<vmem>> -> memref<64x128xf32, #tpu.memory_space<vmem>>
    %dma_wait3A_211 = arith.constant 256 : i32
    %dma_wait3A_212 = tpu.memref_slice %arg5[%dma_wait3A_211] : memref<25600xi32, #tpu.memory_space<vmem>> -> memref<64xi32, #tpu.memory_space<vmem>>
    %dma_wait3A_213 = arith.constant 0 : i32
    %dma_wait3A_214 = arith.constant 0 : i32
    %dma_wait3A_215 = tpu.memref_slice %arg2[%dma_wait3A_213, %dma_wait3A_214] : memref<1000000x128xf32, #tpu.memory_space<hbm>> -> memref<1000000x128xf32, #tpu.memory_space<hbm>>
    tpu.wait_indirect_dma semaphore(%arg11 : memref<!tpu.dma_semaphore, #tpu.memory_space<semaphore_mem>>) src(%dma_wait3A_215 : memref<1000000x128xf32, #tpu.memory_space<hbm>>) dst(%dma_wait3A_210 : memref<64x128xf32, #tpu.memory_space<vmem>>)
    %add3A_216 = arith.constant 256 : i32
    %add3A_217 = arith.addi %mul3A_2, %add3A_216 : i32
    %dma_start3A_218 = arith.constant 4 : i32
    %dma_start3A_219 = arith.constant 0 : i32
    %dma_start3A_220 = arith.constant 0 : i32
    %dma_start3A_221 = tpu.memref_slice %arg6[%dma_start3A_218, %dma_start3A_219, %dma_start3A_220] : memref<8x64x128xf32, #tpu.memory_space<vmem>> -> memref<1x64x128xf32, #tpu.memory_space<vmem>>
    %dma_start3A_222 = tpu.memref_squeeze %dma_start3A_221 : memref<1x64x128xf32, #tpu.memory_space<vmem>> -> memref<64x128xf32, #tpu.memory_space<vmem>>
    %dma_start3A_223 = arith.constant 0 : i32
    %dma_start3A_224 = tpu.memref_slice %arg4[%add3A_217, %dma_start3A_223] : memref<819200x128xf32, #tpu.memory_space<hbm>> -> memref<64x128xf32, #tpu.memory_space<hbm>>
    %dma_start3A_225 = arith.constant 0 : i32
    %dma_start3A_226 = tpu.memref_slice %arg4[%add3A_217, %dma_start3A_225] : memref<819200x128xf32, #tpu.memory_space<hbm>> -> memref<64x128xf32, #tpu.memory_space<hbm>>
    %dma_start3A_227 = arith.constant 0 : i32
    %dma_start3A_228 = arith.constant 0 : i32
    %dma_start3A_229 = tpu.memref_slice %arg6[%dma_start3A_218, %dma_start3A_227, %dma_start3A_228] : memref<8x64x128xf32, #tpu.memory_space<vmem>> -> memref<1x64x128xf32, #tpu.memory_space<vmem>>
    %dma_start3A_230 = tpu.memref_squeeze %dma_start3A_229 : memref<1x64x128xf32, #tpu.memory_space<vmem>> -> memref<64x128xf32, #tpu.memory_space<vmem>>
    tpu.enqueue_dma source(%dma_start3A_230 : memref<64x128xf32, #tpu.memory_space<vmem>>) target(%dma_start3A_226 : memref<64x128xf32, #tpu.memory_space<hbm>>) target_semaphore(%arg19 : memref<!tpu.dma_semaphore, #tpu.memory_space<semaphore_mem>>)
    %add3A_231 = arith.constant 64 : i32
    %add3A_232 = arith.addi %mul3A_2, %add3A_231 : i32
    %dma_wait3A_233 = arith.constant 1 : i32
    %dma_wait3A_234 = arith.constant 0 : i32
    %dma_wait3A_235 = arith.constant 0 : i32
    %dma_wait3A_236 = tpu.memref_slice %arg6[%dma_wait3A_233, %dma_wait3A_234, %dma_wait3A_235] : memref<8x64x128xf32, #tpu.memory_space<vmem>> -> memref<1x64x128xf32, #tpu.memory_space<vmem>>
    %dma_wait3A_237 = tpu.memref_squeeze %dma_wait3A_236 : memref<1x64x128xf32, #tpu.memory_space<vmem>> -> memref<64x128xf32, #tpu.memory_space<vmem>>
    %dma_wait3A_238 = arith.constant 0 : i32
    %dma_wait3A_239 = tpu.memref_slice %arg4[%add3A_232, %dma_wait3A_238] : memref<819200x128xf32, #tpu.memory_space<hbm>> -> memref<64x128xf32, #tpu.memory_space<hbm>>
    %dma_wait3A_240 = arith.constant 0 : i32
    %dma_wait3A_241 = tpu.memref_slice %arg4[%add3A_232, %dma_wait3A_240] : memref<819200x128xf32, #tpu.memory_space<hbm>> -> memref<64x128xf32, #tpu.memory_space<hbm>>
    %dma_wait3A_242 = arith.constant 0 : i32
    %dma_wait3A_243 = arith.constant 0 : i32
    %dma_wait3A_244 = tpu.memref_slice %arg6[%dma_wait3A_233, %dma_wait3A_242, %dma_wait3A_243] : memref<8x64x128xf32, #tpu.memory_space<vmem>> -> memref<1x64x128xf32, #tpu.memory_space<vmem>>
    %dma_wait3A_245 = tpu.memref_squeeze %dma_wait3A_244 : memref<1x64x128xf32, #tpu.memory_space<vmem>> -> memref<64x128xf32, #tpu.memory_space<vmem>>
    tpu.wait_dma2 semaphore(%arg16 : memref<!tpu.dma_semaphore, #tpu.memory_space<semaphore_mem>>) src(%dma_wait3A_245 : memref<64x128xf32, #tpu.memory_space<vmem>>) dst(%dma_wait3A_241 : memref<64x128xf32, #tpu.memory_space<hbm>>)
    %dma_start3A_246 = arith.constant 1 : i32
    %dma_start3A_247 = arith.constant 0 : i32
    %dma_start3A_248 = arith.constant 0 : i32
    %dma_start3A_249 = tpu.memref_slice %arg6[%dma_start3A_246, %dma_start3A_247, %dma_start3A_248] : memref<8x64x128xf32, #tpu.memory_space<vmem>> -> memref<1x64x128xf32, #tpu.memory_space<vmem>>
    %dma_start3A_250 = tpu.memref_squeeze %dma_start3A_249 : memref<1x64x128xf32, #tpu.memory_space<vmem>> -> memref<64x128xf32, #tpu.memory_space<vmem>>
    %dma_start3A_251 = arith.constant 576 : i32
    %dma_start3A_252 = tpu.memref_slice %arg5[%dma_start3A_251] : memref<25600xi32, #tpu.memory_space<vmem>> -> memref<64xi32, #tpu.memory_space<vmem>>
    %dma_start3A_253 = arith.constant 0 : i32
    %dma_start3A_254 = arith.constant 0 : i32
    %dma_start3A_255 = tpu.memref_slice %arg2[%dma_start3A_253, %dma_start3A_254] : memref<1000000x128xf32, #tpu.memory_space<hbm>> -> memref<1000000x128xf32, #tpu.memory_space<hbm>>
    tpu.enqueue_indirect_dma source(%dma_start3A_255 : memref<1000000x128xf32, #tpu.memory_space<hbm>>) target(%dma_start3A_250 : memref<64x128xf32, #tpu.memory_space<vmem>>) offsets(%dma_start3A_252 : memref<64xi32, #tpu.memory_space<vmem>>) semaphore(%arg8 : memref<!tpu.dma_semaphore, #tpu.memory_space<semaphore_mem>>)
    %dma_wait3A_256 = arith.constant 5 : i32
    %dma_wait3A_257 = arith.constant 0 : i32
    %dma_wait3A_258 = arith.constant 0 : i32
    %dma_wait3A_259 = tpu.memref_slice %arg6[%dma_wait3A_256, %dma_wait3A_257, %dma_wait3A_258] : memref<8x64x128xf32, #tpu.memory_space<vmem>> -> memref<1x64x128xf32, #tpu.memory_space<vmem>>
    %dma_wait3A_260 = tpu.memref_squeeze %dma_wait3A_259 : memref<1x64x128xf32, #tpu.memory_space<vmem>> -> memref<64x128xf32, #tpu.memory_space<vmem>>
    %dma_wait3A_261 = arith.constant 320 : i32
    %dma_wait3A_262 = tpu.memref_slice %arg5[%dma_wait3A_261] : memref<25600xi32, #tpu.memory_space<vmem>> -> memref<64xi32, #tpu.memory_space<vmem>>
    %dma_wait3A_263 = arith.constant 0 : i32
    %dma_wait3A_264 = arith.constant 0 : i32
    %dma_wait3A_265 = tpu.memref_slice %arg2[%dma_wait3A_263, %dma_wait3A_264] : memref<1000000x128xf32, #tpu.memory_space<hbm>> -> memref<1000000x128xf32, #tpu.memory_space<hbm>>
    tpu.wait_indirect_dma semaphore(%arg12 : memref<!tpu.dma_semaphore, #tpu.memory_space<semaphore_mem>>) src(%dma_wait3A_265 : memref<1000000x128xf32, #tpu.memory_space<hbm>>) dst(%dma_wait3A_260 : memref<64x128xf32, #tpu.memory_space<vmem>>)
    %add3A_266 = arith.constant 320 : i32
    %add3A_267 = arith.addi %mul3A_2, %add3A_266 : i32
    %dma_start3A_268 = arith.constant 5 : i32
    %dma_start3A_269 = arith.constant 0 : i32
    %dma_start3A_270 = arith.constant 0 : i32
    %dma_start3A_271 = tpu.memref_slice %arg6[%dma_start3A_268, %dma_start3A_269, %dma_start3A_270] : memref<8x64x128xf32, #tpu.memory_space<vmem>> -> memref<1x64x128xf32, #tpu.memory_space<vmem>>
    %dma_start3A_272 = tpu.memref_squeeze %dma_start3A_271 : memref<1x64x128xf32, #tpu.memory_space<vmem>> -> memref<64x128xf32, #tpu.memory_space<vmem>>
    %dma_start3A_273 = arith.constant 0 : i32
    %dma_start3A_274 = tpu.memref_slice %arg4[%add3A_267, %dma_start3A_273] : memref<819200x128xf32, #tpu.memory_space<hbm>> -> memref<64x128xf32, #tpu.memory_space<hbm>>
    %dma_start3A_275 = arith.constant 0 : i32
    %dma_start3A_276 = tpu.memref_slice %arg4[%add3A_267, %dma_start3A_275] : memref<819200x128xf32, #tpu.memory_space<hbm>> -> memref<64x128xf32, #tpu.memory_space<hbm>>
    %dma_start3A_277 = arith.constant 0 : i32
    %dma_start3A_278 = arith.constant 0 : i32
    %dma_start3A_279 = tpu.memref_slice %arg6[%dma_start3A_268, %dma_start3A_277, %dma_start3A_278] : memref<8x64x128xf32, #tpu.memory_space<vmem>> -> memref<1x64x128xf32, #tpu.memory_space<vmem>>
    %dma_start3A_280 = tpu.memref_squeeze %dma_start3A_279 : memref<1x64x128xf32, #tpu.memory_space<vmem>> -> memref<64x128xf32, #tpu.memory_space<vmem>>
    tpu.enqueue_dma source(%dma_start3A_280 : memref<64x128xf32, #tpu.memory_space<vmem>>) target(%dma_start3A_276 : memref<64x128xf32, #tpu.memory_space<hbm>>) target_semaphore(%arg20 : memref<!tpu.dma_semaphore, #tpu.memory_space<semaphore_mem>>)
    %add3A_281 = arith.constant 128 : i32
    %add3A_282 = arith.addi %mul3A_2, %add3A_281 : i32
    %dma_wait3A_283 = arith.constant 2 : i32
    %dma_wait3A_284 = arith.constant 0 : i32
    %dma_wait3A_285 = arith.constant 0 : i32
    %dma_wait3A_286 = tpu.memref_slice %arg6[%dma_wait3A_283, %dma_wait3A_284, %dma_wait3A_285] : memref<8x64x128xf32, #tpu.memory_space<vmem>> -> memref<1x64x128xf32, #tpu.memory_space<vmem>>
    %dma_wait3A_287 = tpu.memref_squeeze %dma_wait3A_286 : memref<1x64x128xf32, #tpu.memory_space<vmem>> -> memref<64x128xf32, #tpu.memory_space<vmem>>
    %dma_wait3A_288 = arith.constant 0 : i32
    %dma_wait3A_289 = tpu.memref_slice %arg4[%add3A_282, %dma_wait3A_288] : memref<819200x128xf32, #tpu.memory_space<hbm>> -> memref<64x128xf32, #tpu.memory_space<hbm>>
    %dma_wait3A_290 = arith.constant 0 : i32
    %dma_wait3A_291 = tpu.memref_slice %arg4[%add3A_282, %dma_wait3A_290] : memref<819200x128xf32, #tpu.memory_space<hbm>> -> memref<64x128xf32, #tpu.memory_space<hbm>>
    %dma_wait3A_292 = arith.constant 0 : i32
    %dma_wait3A_293 = arith.constant 0 : i32
    %dma_wait3A_294 = tpu.memref_slice %arg6[%dma_wait3A_283, %dma_wait3A_292, %dma_wait3A_293] : memref<8x64x128xf32, #tpu.memory_space<vmem>> -> memref<1x64x128xf32, #tpu.memory_space<vmem>>
    %dma_wait3A_295 = tpu.memref_squeeze %dma_wait3A_294 : memref<1x64x128xf32, #tpu.memory_space<vmem>> -> memref<64x128xf32, #tpu.memory_space<vmem>>
    tpu.wait_dma2 semaphore(%arg17 : memref<!tpu.dma_semaphore, #tpu.memory_space<semaphore_mem>>) src(%dma_wait3A_295 : memref<64x128xf32, #tpu.memory_space<vmem>>) dst(%dma_wait3A_291 : memref<64x128xf32, #tpu.memory_space<hbm>>)
    %dma_start3A_296 = arith.constant 2 : i32
    %dma_start3A_297 = arith.constant 0 : i32
    %dma_start3A_298 = arith.constant 0 : i32
    %dma_start3A_299 = tpu.memref_slice %arg6[%dma_start3A_296, %dma_start3A_297, %dma_start3A_298] : memref<8x64x128xf32, #tpu.memory_space<vmem>> -> memref<1x64x128xf32, #tpu.memory_space<vmem>>
    %dma_start3A_300 = tpu.memref_squeeze %dma_start3A_299 : memref<1x64x128xf32, #tpu.memory_space<vmem>> -> memref<64x128xf32, #tpu.memory_space<vmem>>
    %dma_start3A_301 = arith.constant 640 : i32
    %dma_start3A_302 = tpu.memref_slice %arg5[%dma_start3A_301] : memref<25600xi32, #tpu.memory_space<vmem>> -> memref<64xi32, #tpu.memory_space<vmem>>
    %dma_start3A_303 = arith.constant 0 : i32
    %dma_start3A_304 = arith.constant 0 : i32
    %dma_start3A_305 = tpu.memref_slice %arg2[%dma_start3A_303, %dma_start3A_304] : memref<1000000x128xf32, #tpu.memory_space<hbm>> -> memref<1000000x128xf32, #tpu.memory_space<hbm>>
    tpu.enqueue_indirect_dma source(%dma_start3A_305 : memref<1000000x128xf32, #tpu.memory_space<hbm>>) target(%dma_start3A_300 : memref<64x128xf32, #tpu.memory_space<vmem>>) offsets(%dma_start3A_302 : memref<64xi32, #tpu.memory_space<vmem>>) semaphore(%arg9 : memref<!tpu.dma_semaphore, #tpu.memory_space<semaphore_mem>>)
    %dma_wait3A_306 = arith.constant 6 : i32
    %dma_wait3A_307 = arith.constant 0 : i32
    %dma_wait3A_308 = arith.constant 0 : i32
    %dma_wait3A_309 = tpu.memref_slice %arg6[%dma_wait3A_306, %dma_wait3A_307, %dma_wait3A_308] : memref<8x64x128xf32, #tpu.memory_space<vmem>> -> memref<1x64x128xf32, #tpu.memory_space<vmem>>
    %dma_wait3A_310 = tpu.memref_squeeze %dma_wait3A_309 : memref<1x64x128xf32, #tpu.memory_space<vmem>> -> memref<64x128xf32, #tpu.memory_space<vmem>>
    %dma_wait3A_311 = arith.constant 384 : i32
    %dma_wait3A_312 = tpu.memref_slice %arg5[%dma_wait3A_311] : memref<25600xi32, #tpu.memory_space<vmem>> -> memref<64xi32, #tpu.memory_space<vmem>>
    %dma_wait3A_313 = arith.constant 0 : i32
    %dma_wait3A_314 = arith.constant 0 : i32
    %dma_wait3A_315 = tpu.memref_slice %arg2[%dma_wait3A_313, %dma_wait3A_314] : memref<1000000x128xf32, #tpu.memory_space<hbm>> -> memref<1000000x128xf32, #tpu.memory_space<hbm>>
    tpu.wait_indirect_dma semaphore(%arg13 : memref<!tpu.dma_semaphore, #tpu.memory_space<semaphore_mem>>) src(%dma_wait3A_315 : memref<1000000x128xf32, #tpu.memory_space<hbm>>) dst(%dma_wait3A_310 : memref<64x128xf32, #tpu.memory_space<vmem>>)
    %add3A_316 = arith.constant 384 : i32
    %add3A_317 = arith.addi %mul3A_2, %add3A_316 : i32
    %dma_start3A_318 = arith.constant 6 : i32
    %dma_start3A_319 = arith.constant 0 : i32
    %dma_start3A_320 = arith.constant 0 : i32
    %dma_start3A_321 = tpu.memref_slice %arg6[%dma_start3A_318, %dma_start3A_319, %dma_start3A_320] : memref<8x64x128xf32, #tpu.memory_space<vmem>> -> memref<1x64x128xf32, #tpu.memory_space<vmem>>
    %dma_start3A_322 = tpu.memref_squeeze %dma_start3A_321 : memref<1x64x128xf32, #tpu.memory_space<vmem>> -> memref<64x128xf32, #tpu.memory_space<vmem>>
    %dma_start3A_323 = arith.constant 0 : i32
    %dma_start3A_324 = tpu.memref_slice %arg4[%add3A_317, %dma_start3A_323] : memref<819200x128xf32, #tpu.memory_space<hbm>> -> memref<64x128xf32, #tpu.memory_space<hbm>>
    %dma_start3A_325 = arith.constant 0 : i32
    %dma_start3A_326 = tpu.memref_slice %arg4[%add3A_317, %dma_start3A_325] : memref<819200x128xf32, #tpu.memory_space<hbm>> -> memref<64x128xf32, #tpu.memory_space<hbm>>
    %dma_start3A_327 = arith.constant 0 : i32
    %dma_start3A_328 = arith.constant 0 : i32
    %dma_start3A_329 = tpu.memref_slice %arg6[%dma_start3A_318, %dma_start3A_327, %dma_start3A_328] : memref<8x64x128xf32, #tpu.memory_space<vmem>> -> memref<1x64x128xf32, #tpu.memory_space<vmem>>
    %dma_start3A_330 = tpu.memref_squeeze %dma_start3A_329 : memref<1x64x128xf32, #tpu.memory_space<vmem>> -> memref<64x128xf32, #tpu.memory_space<vmem>>
    tpu.enqueue_dma source(%dma_start3A_330 : memref<64x128xf32, #tpu.memory_space<vmem>>) target(%dma_start3A_326 : memref<64x128xf32, #tpu.memory_space<hbm>>) target_semaphore(%arg21 : memref<!tpu.dma_semaphore, #tpu.memory_space<semaphore_mem>>)
    %add3A_331 = arith.constant 192 : i32
    %add3A_332 = arith.addi %mul3A_2, %add3A_331 : i32
    %dma_wait3A_333 = arith.constant 3 : i32
    %dma_wait3A_334 = arith.constant 0 : i32
    %dma_wait3A_335 = arith.constant 0 : i32
    %dma_wait3A_336 = tpu.memref_slice %arg6[%dma_wait3A_333, %dma_wait3A_334, %dma_wait3A_335] : memref<8x64x128xf32, #tpu.memory_space<vmem>> -> memref<1x64x128xf32, #tpu.memory_space<vmem>>
    %dma_wait3A_337 = tpu.memref_squeeze %dma_wait3A_336 : memref<1x64x128xf32, #tpu.memory_space<vmem>> -> memref<64x128xf32, #tpu.memory_space<vmem>>
    %dma_wait3A_338 = arith.constant 0 : i32
    %dma_wait3A_339 = tpu.memref_slice %arg4[%add3A_332, %dma_wait3A_338] : memref<819200x128xf32, #tpu.memory_space<hbm>> -> memref<64x128xf32, #tpu.memory_space<hbm>>
    %dma_wait3A_340 = arith.constant 0 : i32
    %dma_wait3A_341 = tpu.memref_slice %arg4[%add3A_332, %dma_wait3A_340] : memref<819200x128xf32, #tpu.memory_space<hbm>> -> memref<64x128xf32, #tpu.memory_space<hbm>>
    %dma_wait3A_342 = arith.constant 0 : i32
    %dma_wait3A_343 = arith.constant 0 : i32
    %dma_wait3A_344 = tpu.memref_slice %arg6[%dma_wait3A_333, %dma_wait3A_342, %dma_wait3A_343] : memref<8x64x128xf32, #tpu.memory_space<vmem>> -> memref<1x64x128xf32, #tpu.memory_space<vmem>>
    %dma_wait3A_345 = tpu.memref_squeeze %dma_wait3A_344 : memref<1x64x128xf32, #tpu.memory_space<vmem>> -> memref<64x128xf32, #tpu.memory_space<vmem>>
    tpu.wait_dma2 semaphore(%arg18 : memref<!tpu.dma_semaphore, #tpu.memory_space<semaphore_mem>>) src(%dma_wait3A_345 : memref<64x128xf32, #tpu.memory_space<vmem>>) dst(%dma_wait3A_341 : memref<64x128xf32, #tpu.memory_space<hbm>>)
    %dma_start3A_346 = arith.constant 3 : i32
    %dma_start3A_347 = arith.constant 0 : i32
    %dma_start3A_348 = arith.constant 0 : i32
    %dma_start3A_349 = tpu.memref_slice %arg6[%dma_start3A_346, %dma_start3A_347, %dma_start3A_348] : memref<8x64x128xf32, #tpu.memory_space<vmem>> -> memref<1x64x128xf32, #tpu.memory_space<vmem>>
    %dma_start3A_350 = tpu.memref_squeeze %dma_start3A_349 : memref<1x64x128xf32, #tpu.memory_space<vmem>> -> memref<64x128xf32, #tpu.memory_space<vmem>>
    %dma_start3A_351 = arith.constant 704 : i32
    %dma_start3A_352 = tpu.memref_slice %arg5[%dma_start3A_351] : memref<25600xi32, #tpu.memory_space<vmem>> -> memref<64xi32, #tpu.memory_space<vmem>>
    %dma_start3A_353 = arith.constant 0 : i32
    %dma_start3A_354 = arith.constant 0 : i32
    %dma_start3A_355 = tpu.memref_slice %arg2[%dma_start3A_353, %dma_start3A_354] : memref<1000000x128xf32, #tpu.memory_space<hbm>> -> memref<1000000x128xf32, #tpu.memory_space<hbm>>
    tpu.enqueue_indirect_dma source(%dma_start3A_355 : memref<1000000x128xf32, #tpu.memory_space<hbm>>) target(%dma_start3A_350 : memref<64x128xf32, #tpu.memory_space<vmem>>) offsets(%dma_start3A_352 : memref<64xi32, #tpu.memory_space<vmem>>) semaphore(%arg10 : memref<!tpu.dma_semaphore, #tpu.memory_space<semaphore_mem>>)
    %dma_wait3A_356 = arith.constant 7 : i32
    %dma_wait3A_357 = arith.constant 0 : i32
    %dma_wait3A_358 = arith.constant 0 : i32
    %dma_wait3A_359 = tpu.memref_slice %arg6[%dma_wait3A_356, %dma_wait3A_357, %dma_wait3A_358] : memref<8x64x128xf32, #tpu.memory_space<vmem>> -> memref<1x64x128xf32, #tpu.memory_space<vmem>>
    %dma_wait3A_360 = tpu.memref_squeeze %dma_wait3A_359 : memref<1x64x128xf32, #tpu.memory_space<vmem>> -> memref<64x128xf32, #tpu.memory_space<vmem>>
    %dma_wait3A_361 = arith.constant 448 : i32
    %dma_wait3A_362 = tpu.memref_slice %arg5[%dma_wait3A_361] : memref<25600xi32, #tpu.memory_space<vmem>> -> memref<64xi32, #tpu.memory_space<vmem>>
    %dma_wait3A_363 = arith.constant 0 : i32
    %dma_wait3A_364 = arith.constant 0 : i32
    %dma_wait3A_365 = tpu.memref_slice %arg2[%dma_wait3A_363, %dma_wait3A_364] : memref<1000000x128xf32, #tpu.memory_space<hbm>> -> memref<1000000x128xf32, #tpu.memory_space<hbm>>
    tpu.wait_indirect_dma semaphore(%arg14 : memref<!tpu.dma_semaphore, #tpu.memory_space<semaphore_mem>>) src(%dma_wait3A_365 : memref<1000000x128xf32, #tpu.memory_space<hbm>>) dst(%dma_wait3A_360 : memref<64x128xf32, #tpu.memory_space<vmem>>)
    %add3A_366 = arith.constant 448 : i32
    %add3A_367 = arith.addi %mul3A_2, %add3A_366 : i32
    %dma_start3A_368 = arith.constant 7 : i32
    %dma_start3A_369 = arith.constant 0 : i32
    %dma_start3A_370 = arith.constant 0 : i32
    %dma_start3A_371 = tpu.memref_slice %arg6[%dma_start3A_368, %dma_start3A_369, %dma_start3A_370] : memref<8x64x128xf32, #tpu.memory_space<vmem>> -> memref<1x64x128xf32, #tpu.memory_space<vmem>>
    %dma_start3A_372 = tpu.memref_squeeze %dma_start3A_371 : memref<1x64x128xf32, #tpu.memory_space<vmem>> -> memref<64x128xf32, #tpu.memory_space<vmem>>
    %dma_start3A_373 = arith.constant 0 : i32
    %dma_start3A_374 = tpu.memref_slice %arg4[%add3A_367, %dma_start3A_373] : memref<819200x128xf32, #tpu.memory_space<hbm>> -> memref<64x128xf32, #tpu.memory_space<hbm>>
    %dma_start3A_375 = arith.constant 0 : i32
    %dma_start3A_376 = tpu.memref_slice %arg4[%add3A_367, %dma_start3A_375] : memref<819200x128xf32, #tpu.memory_space<hbm>> -> memref<64x128xf32, #tpu.memory_space<hbm>>
    %dma_start3A_377 = arith.constant 0 : i32
    %dma_start3A_378 = arith.constant 0 : i32
    %dma_start3A_379 = tpu.memref_slice %arg6[%dma_start3A_368, %dma_start3A_377, %dma_start3A_378] : memref<8x64x128xf32, #tpu.memory_space<vmem>> -> memref<1x64x128xf32, #tpu.memory_space<vmem>>
    %dma_start3A_380 = tpu.memref_squeeze %dma_start3A_379 : memref<1x64x128xf32, #tpu.memory_space<vmem>> -> memref<64x128xf32, #tpu.memory_space<vmem>>
    tpu.enqueue_dma source(%dma_start3A_380 : memref<64x128xf32, #tpu.memory_space<vmem>>) target(%dma_start3A_376 : memref<64x128xf32, #tpu.memory_space<hbm>>) target_semaphore(%arg22 : memref<!tpu.dma_semaphore, #tpu.memory_space<semaphore_mem>>)
    %scan3A = arith.constant 0 : i32
    %scan3A_381 = arith.constant 1 : i32
    %scan3A_382 = arith.constant 48 : i32
    %scan3A_383 = arith.addi %scan3A_381, %scan3A_382 : i32
    %scan3A_384 = arith.constant 1 : i32
    scf.for %scan3A_806 = %scan3A_381 to %scan3A_383 step %scan3A_384  : i32 {
      %mul3A_807 = arith.constant 8 : i32
      %mul3A_808 = arith.muli %scan3A_806, %mul3A_807 : i32
      %add3A_809 = arith.constant 0 : i32
      %add3A_810 = arith.addi %mul3A_808, %add3A_809 : i32
      %add3A_811 = arith.constant 4 : i32
      %add3A_812 = arith.addi %add3A_810, %add3A_811 : i32
      %sub3A = arith.constant 8 : i32
      %sub3A_813 = arith.subi %add3A_812, %sub3A : i32
      %mul3A_814 = arith.constant 64 : i32
      %mul3A_815 = arith.muli %sub3A_813, %mul3A_814 : i32
      %add3A_816 = arith.addi %mul3A_2, %mul3A_815 : i32
      %dma_wait3A_817 = arith.constant 4 : i32
      %dma_wait3A_818 = arith.constant 0 : i32
      %dma_wait3A_819 = arith.constant 0 : i32
      %dma_wait3A_820 = tpu.memref_slice %arg6[%dma_wait3A_817, %dma_wait3A_818, %dma_wait3A_819] : memref<8x64x128xf32, #tpu.memory_space<vmem>> -> memref<1x64x128xf32, #tpu.memory_space<vmem>>
      %dma_wait3A_821 = tpu.memref_squeeze %dma_wait3A_820 : memref<1x64x128xf32, #tpu.memory_space<vmem>> -> memref<64x128xf32, #tpu.memory_space<vmem>>
      %dma_wait3A_822 = arith.constant 0 : i32
      %dma_wait3A_823 = tpu.memref_slice %arg4[%add3A_816, %dma_wait3A_822] : memref<819200x128xf32, #tpu.memory_space<hbm>> -> memref<64x128xf32, #tpu.memory_space<hbm>>
      %dma_wait3A_824 = arith.constant 0 : i32
      %dma_wait3A_825 = tpu.memref_slice %arg4[%add3A_816, %dma_wait3A_824] : memref<819200x128xf32, #tpu.memory_space<hbm>> -> memref<64x128xf32, #tpu.memory_space<hbm>>
      %dma_wait3A_826 = arith.constant 0 : i32
      %dma_wait3A_827 = arith.constant 0 : i32
      %dma_wait3A_828 = tpu.memref_slice %arg6[%dma_wait3A_817, %dma_wait3A_826, %dma_wait3A_827] : memref<8x64x128xf32, #tpu.memory_space<vmem>> -> memref<1x64x128xf32, #tpu.memory_space<vmem>>
      %dma_wait3A_829 = tpu.memref_squeeze %dma_wait3A_828 : memref<1x64x128xf32, #tpu.memory_space<vmem>> -> memref<64x128xf32, #tpu.memory_space<vmem>>
      tpu.wait_dma2 semaphore(%arg19 : memref<!tpu.dma_semaphore, #tpu.memory_space<semaphore_mem>>) src(%dma_wait3A_829 : memref<64x128xf32, #tpu.memory_space<vmem>>) dst(%dma_wait3A_825 : memref<64x128xf32, #tpu.memory_space<hbm>>)
      %add3A_830 = arith.constant 4 : i32
      %add3A_831 = arith.addi %add3A_810, %add3A_830 : i32
      %mul3A_832 = arith.constant 64 : i32
      %mul3A_833 = arith.muli %add3A_831, %mul3A_832 : i32
      %dma_start3A_834 = arith.constant 4 : i32
      %dma_start3A_835 = arith.constant 0 : i32
      %dma_start3A_836 = arith.constant 0 : i32
      %dma_start3A_837 = tpu.memref_slice %arg6[%dma_start3A_834, %dma_start3A_835, %dma_start3A_836] : memref<8x64x128xf32, #tpu.memory_space<vmem>> -> memref<1x64x128xf32, #tpu.memory_space<vmem>>
      %dma_start3A_838 = tpu.memref_squeeze %dma_start3A_837 : memref<1x64x128xf32, #tpu.memory_space<vmem>> -> memref<64x128xf32, #tpu.memory_space<vmem>>
      %dma_start3A_839 = tpu.memref_slice %arg5[%mul3A_833] : memref<25600xi32, #tpu.memory_space<vmem>> -> memref<64xi32, #tpu.memory_space<vmem>>
      %dma_start3A_840 = arith.constant 0 : i32
      %dma_start3A_841 = arith.constant 0 : i32
      %dma_start3A_842 = tpu.memref_slice %arg2[%dma_start3A_840, %dma_start3A_841] : memref<1000000x128xf32, #tpu.memory_space<hbm>> -> memref<1000000x128xf32, #tpu.memory_space<hbm>>
      tpu.enqueue_indirect_dma source(%dma_start3A_842 : memref<1000000x128xf32, #tpu.memory_space<hbm>>) target(%dma_start3A_838 : memref<64x128xf32, #tpu.memory_space<vmem>>) offsets(%dma_start3A_839 : memref<64xi32, #tpu.memory_space<vmem>>) semaphore(%arg11 : memref<!tpu.dma_semaphore, #tpu.memory_space<semaphore_mem>>)
      %mul3A_843 = arith.constant 64 : i32
      %mul3A_844 = arith.muli %add3A_810, %mul3A_843 : i32
      %dma_wait3A_845 = arith.constant 0 : i32
      %dma_wait3A_846 = arith.constant 0 : i32
      %dma_wait3A_847 = arith.constant 0 : i32
      %dma_wait3A_848 = tpu.memref_slice %arg6[%dma_wait3A_845, %dma_wait3A_846, %dma_wait3A_847] : memref<8x64x128xf32, #tpu.memory_space<vmem>> -> memref<1x64x128xf32, #tpu.memory_space<vmem>>
      %dma_wait3A_849 = tpu.memref_squeeze %dma_wait3A_848 : memref<1x64x128xf32, #tpu.memory_space<vmem>> -> memref<64x128xf32, #tpu.memory_space<vmem>>
      %dma_wait3A_850 = tpu.memref_slice %arg5[%mul3A_844] : memref<25600xi32, #tpu.memory_space<vmem>> -> memref<64xi32, #tpu.memory_space<vmem>>
      %dma_wait3A_851 = arith.constant 0 : i32
      %dma_wait3A_852 = arith.constant 0 : i32
      %dma_wait3A_853 = tpu.memref_slice %arg2[%dma_wait3A_851, %dma_wait3A_852] : memref<1000000x128xf32, #tpu.memory_space<hbm>> -> memref<1000000x128xf32, #tpu.memory_space<hbm>>
      tpu.wait_indirect_dma semaphore(%arg7 : memref<!tpu.dma_semaphore, #tpu.memory_space<semaphore_mem>>) src(%dma_wait3A_853 : memref<1000000x128xf32, #tpu.memory_space<hbm>>) dst(%dma_wait3A_849 : memref<64x128xf32, #tpu.memory_space<vmem>>)
      %mul3A_854 = arith.constant 64 : i32
      %mul3A_855 = arith.muli %add3A_810, %mul3A_854 : i32
      %add3A_856 = arith.addi %mul3A_2, %mul3A_855 : i32
      %dma_start3A_857 = arith.constant 0 : i32
      %dma_start3A_858 = arith.constant 0 : i32
      %dma_start3A_859 = arith.constant 0 : i32
      %dma_start3A_860 = tpu.memref_slice %arg6[%dma_start3A_857, %dma_start3A_858, %dma_start3A_859] : memref<8x64x128xf32, #tpu.memory_space<vmem>> -> memref<1x64x128xf32, #tpu.memory_space<vmem>>
      %dma_start3A_861 = tpu.memref_squeeze %dma_start3A_860 : memref<1x64x128xf32, #tpu.memory_space<vmem>> -> memref<64x128xf32, #tpu.memory_space<vmem>>
      %dma_start3A_862 = arith.constant 0 : i32
      %dma_start3A_863 = tpu.memref_slice %arg4[%add3A_856, %dma_start3A_862] : memref<819200x128xf32, #tpu.memory_space<hbm>> -> memref<64x128xf32, #tpu.memory_space<hbm>>
      %dma_start3A_864 = arith.constant 0 : i32
      %dma_start3A_865 = tpu.memref_slice %arg4[%add3A_856, %dma_start3A_864] : memref<819200x128xf32, #tpu.memory_space<hbm>> -> memref<64x128xf32, #tpu.memory_space<hbm>>
      %dma_start3A_866 = arith.constant 0 : i32
      %dma_start3A_867 = arith.constant 0 : i32
      %dma_start3A_868 = tpu.memref_slice %arg6[%dma_start3A_857, %dma_start3A_866, %dma_start3A_867] : memref<8x64x128xf32, #tpu.memory_space<vmem>> -> memref<1x64x128xf32, #tpu.memory_space<vmem>>
      %dma_start3A_869 = tpu.memref_squeeze %dma_start3A_868 : memref<1x64x128xf32, #tpu.memory_space<vmem>> -> memref<64x128xf32, #tpu.memory_space<vmem>>
      tpu.enqueue_dma source(%dma_start3A_869 : memref<64x128xf32, #tpu.memory_space<vmem>>) target(%dma_start3A_865 : memref<64x128xf32, #tpu.memory_space<hbm>>) target_semaphore(%arg15 : memref<!tpu.dma_semaphore, #tpu.memory_space<semaphore_mem>>)
      %mul3A_870 = arith.constant 8 : i32
      %mul3A_871 = arith.muli %scan3A_806, %mul3A_870 : i32
      %add3A_872 = arith.constant 1 : i32
      %add3A_873 = arith.addi %mul3A_871, %add3A_872 : i32
      %add3A_874 = arith.constant 4 : i32
      %add3A_875 = arith.addi %add3A_873, %add3A_874 : i32
      %sub3A_876 = arith.constant 8 : i32
      %sub3A_877 = arith.subi %add3A_875, %sub3A_876 : i32
      %mul3A_878 = arith.constant 64 : i32
      %mul3A_879 = arith.muli %sub3A_877, %mul3A_878 : i32
      %add3A_880 = arith.addi %mul3A_2, %mul3A_879 : i32
      %dma_wait3A_881 = arith.constant 5 : i32
      %dma_wait3A_882 = arith.constant 0 : i32
      %dma_wait3A_883 = arith.constant 0 : i32
      %dma_wait3A_884 = tpu.memref_slice %arg6[%dma_wait3A_881, %dma_wait3A_882, %dma_wait3A_883] : memref<8x64x128xf32, #tpu.memory_space<vmem>> -> memref<1x64x128xf32, #tpu.memory_space<vmem>>
      %dma_wait3A_885 = tpu.memref_squeeze %dma_wait3A_884 : memref<1x64x128xf32, #tpu.memory_space<vmem>> -> memref<64x128xf32, #tpu.memory_space<vmem>>
      %dma_wait3A_886 = arith.constant 0 : i32
      %dma_wait3A_887 = tpu.memref_slice %arg4[%add3A_880, %dma_wait3A_886] : memref<819200x128xf32, #tpu.memory_space<hbm>> -> memref<64x128xf32, #tpu.memory_space<hbm>>
      %dma_wait3A_888 = arith.constant 0 : i32
      %dma_wait3A_889 = tpu.memref_slice %arg4[%add3A_880, %dma_wait3A_888] : memref<819200x128xf32, #tpu.memory_space<hbm>> -> memref<64x128xf32, #tpu.memory_space<hbm>>
      %dma_wait3A_890 = arith.constant 0 : i32
      %dma_wait3A_891 = arith.constant 0 : i32
      %dma_wait3A_892 = tpu.memref_slice %arg6[%dma_wait3A_881, %dma_wait3A_890, %dma_wait3A_891] : memref<8x64x128xf32, #tpu.memory_space<vmem>> -> memref<1x64x128xf32, #tpu.memory_space<vmem>>
      %dma_wait3A_893 = tpu.memref_squeeze %dma_wait3A_892 : memref<1x64x128xf32, #tpu.memory_space<vmem>> -> memref<64x128xf32, #tpu.memory_space<vmem>>
      tpu.wait_dma2 semaphore(%arg20 : memref<!tpu.dma_semaphore, #tpu.memory_space<semaphore_mem>>) src(%dma_wait3A_893 : memref<64x128xf32, #tpu.memory_space<vmem>>) dst(%dma_wait3A_889 : memref<64x128xf32, #tpu.memory_space<hbm>>)
      %add3A_894 = arith.constant 4 : i32
      %add3A_895 = arith.addi %add3A_873, %add3A_894 : i32
      %mul3A_896 = arith.constant 64 : i32
      %mul3A_897 = arith.muli %add3A_895, %mul3A_896 : i32
      %dma_start3A_898 = arith.constant 5 : i32
      %dma_start3A_899 = arith.constant 0 : i32
      %dma_start3A_900 = arith.constant 0 : i32
      %dma_start3A_901 = tpu.memref_slice %arg6[%dma_start3A_898, %dma_start3A_899, %dma_start3A_900] : memref<8x64x128xf32, #tpu.memory_space<vmem>> -> memref<1x64x128xf32, #tpu.memory_space<vmem>>
      %dma_start3A_902 = tpu.memref_squeeze %dma_start3A_901 : memref<1x64x128xf32, #tpu.memory_space<vmem>> -> memref<64x128xf32, #tpu.memory_space<vmem>>
      %dma_start3A_903 = tpu.memref_slice %arg5[%mul3A_897] : memref<25600xi32, #tpu.memory_space<vmem>> -> memref<64xi32, #tpu.memory_space<vmem>>
      %dma_start3A_904 = arith.constant 0 : i32
      %dma_start3A_905 = arith.constant 0 : i32
      %dma_start3A_906 = tpu.memref_slice %arg2[%dma_start3A_904, %dma_start3A_905] : memref<1000000x128xf32, #tpu.memory_space<hbm>> -> memref<1000000x128xf32, #tpu.memory_space<hbm>>
      tpu.enqueue_indirect_dma source(%dma_start3A_906 : memref<1000000x128xf32, #tpu.memory_space<hbm>>) target(%dma_start3A_902 : memref<64x128xf32, #tpu.memory_space<vmem>>) offsets(%dma_start3A_903 : memref<64xi32, #tpu.memory_space<vmem>>) semaphore(%arg12 : memref<!tpu.dma_semaphore, #tpu.memory_space<semaphore_mem>>)
      %mul3A_907 = arith.constant 64 : i32
      %mul3A_908 = arith.muli %add3A_873, %mul3A_907 : i32
      %dma_wait3A_909 = arith.constant 1 : i32
      %dma_wait3A_910 = arith.constant 0 : i32
      %dma_wait3A_911 = arith.constant 0 : i32
      %dma_wait3A_912 = tpu.memref_slice %arg6[%dma_wait3A_909, %dma_wait3A_910, %dma_wait3A_911] : memref<8x64x128xf32, #tpu.memory_space<vmem>> -> memref<1x64x128xf32, #tpu.memory_space<vmem>>
      %dma_wait3A_913 = tpu.memref_squeeze %dma_wait3A_912 : memref<1x64x128xf32, #tpu.memory_space<vmem>> -> memref<64x128xf32, #tpu.memory_space<vmem>>
      %dma_wait3A_914 = tpu.memref_slice %arg5[%mul3A_908] : memref<25600xi32, #tpu.memory_space<vmem>> -> memref<64xi32, #tpu.memory_space<vmem>>
      %dma_wait3A_915 = arith.constant 0 : i32
      %dma_wait3A_916 = arith.constant 0 : i32
      %dma_wait3A_917 = tpu.memref_slice %arg2[%dma_wait3A_915, %dma_wait3A_916] : memref<1000000x128xf32, #tpu.memory_space<hbm>> -> memref<1000000x128xf32, #tpu.memory_space<hbm>>
      tpu.wait_indirect_dma semaphore(%arg8 : memref<!tpu.dma_semaphore, #tpu.memory_space<semaphore_mem>>) src(%dma_wait3A_917 : memref<1000000x128xf32, #tpu.memory_space<hbm>>) dst(%dma_wait3A_913 : memref<64x128xf32, #tpu.memory_space<vmem>>)
      %mul3A_918 = arith.constant 64 : i32
      %mul3A_919 = arith.muli %add3A_873, %mul3A_918 : i32
      %add3A_920 = arith.addi %mul3A_2, %mul3A_919 : i32
      %dma_start3A_921 = arith.constant 1 : i32
      %dma_start3A_922 = arith.constant 0 : i32
      %dma_start3A_923 = arith.constant 0 : i32
      %dma_start3A_924 = tpu.memref_slice %arg6[%dma_start3A_921, %dma_start3A_922, %dma_start3A_923] : memref<8x64x128xf32, #tpu.memory_space<vmem>> -> memref<1x64x128xf32, #tpu.memory_space<vmem>>
      %dma_start3A_925 = tpu.memref_squeeze %dma_start3A_924 : memref<1x64x128xf32, #tpu.memory_space<vmem>> -> memref<64x128xf32, #tpu.memory_space<vmem>>
      %dma_start3A_926 = arith.constant 0 : i32
      %dma_start3A_927 = tpu.memref_slice %arg4[%add3A_920, %dma_start3A_926] : memref<819200x128xf32, #tpu.memory_space<hbm>> -> memref<64x128xf32, #tpu.memory_space<hbm>>
      %dma_start3A_928 = arith.constant 0 : i32
      %dma_start3A_929 = tpu.memref_slice %arg4[%add3A_920, %dma_start3A_928] : memref<819200x128xf32, #tpu.memory_space<hbm>> -> memref<64x128xf32, #tpu.memory_space<hbm>>
      %dma_start3A_930 = arith.constant 0 : i32
      %dma_start3A_931 = arith.constant 0 : i32
      %dma_start3A_932 = tpu.memref_slice %arg6[%dma_start3A_921, %dma_start3A_930, %dma_start3A_931] : memref<8x64x128xf32, #tpu.memory_space<vmem>> -> memref<1x64x128xf32, #tpu.memory_space<vmem>>
      %dma_start3A_933 = tpu.memref_squeeze %dma_start3A_932 : memref<1x64x128xf32, #tpu.memory_space<vmem>> -> memref<64x128xf32, #tpu.memory_space<vmem>>
      tpu.enqueue_dma source(%dma_start3A_933 : memref<64x128xf32, #tpu.memory_space<vmem>>) target(%dma_start3A_929 : memref<64x128xf32, #tpu.memory_space<hbm>>) target_semaphore(%arg16 : memref<!tpu.dma_semaphore, #tpu.memory_space<semaphore_mem>>)
      %mul3A_934 = arith.constant 8 : i32
      %mul3A_935 = arith.muli %scan3A_806, %mul3A_934 : i32
      %add3A_936 = arith.constant 2 : i32
      %add3A_937 = arith.addi %mul3A_935, %add3A_936 : i32
      %add3A_938 = arith.constant 4 : i32
      %add3A_939 = arith.addi %add3A_937, %add3A_938 : i32
      %sub3A_940 = arith.constant 8 : i32
      %sub3A_941 = arith.subi %add3A_939, %sub3A_940 : i32
      %mul3A_942 = arith.constant 64 : i32
      %mul3A_943 = arith.muli %sub3A_941, %mul3A_942 : i32
      %add3A_944 = arith.addi %mul3A_2, %mul3A_943 : i32
      %dma_wait3A_945 = arith.constant 6 : i32
      %dma_wait3A_946 = arith.constant 0 : i32
      %dma_wait3A_947 = arith.constant 0 : i32
      %dma_wait3A_948 = tpu.memref_slice %arg6[%dma_wait3A_945, %dma_wait3A_946, %dma_wait3A_947] : memref<8x64x128xf32, #tpu.memory_space<vmem>> -> memref<1x64x128xf32, #tpu.memory_space<vmem>>
      %dma_wait3A_949 = tpu.memref_squeeze %dma_wait3A_948 : memref<1x64x128xf32, #tpu.memory_space<vmem>> -> memref<64x128xf32, #tpu.memory_space<vmem>>
      %dma_wait3A_950 = arith.constant 0 : i32
      %dma_wait3A_951 = tpu.memref_slice %arg4[%add3A_944, %dma_wait3A_950] : memref<819200x128xf32, #tpu.memory_space<hbm>> -> memref<64x128xf32, #tpu.memory_space<hbm>>
      %dma_wait3A_952 = arith.constant 0 : i32
      %dma_wait3A_953 = tpu.memref_slice %arg4[%add3A_944, %dma_wait3A_952] : memref<819200x128xf32, #tpu.memory_space<hbm>> -> memref<64x128xf32, #tpu.memory_space<hbm>>
      %dma_wait3A_954 = arith.constant 0 : i32
      %dma_wait3A_955 = arith.constant 0 : i32
      %dma_wait3A_956 = tpu.memref_slice %arg6[%dma_wait3A_945, %dma_wait3A_954, %dma_wait3A_955] : memref<8x64x128xf32, #tpu.memory_space<vmem>> -> memref<1x64x128xf32, #tpu.memory_space<vmem>>
      %dma_wait3A_957 = tpu.memref_squeeze %dma_wait3A_956 : memref<1x64x128xf32, #tpu.memory_space<vmem>> -> memref<64x128xf32, #tpu.memory_space<vmem>>
      tpu.wait_dma2 semaphore(%arg21 : memref<!tpu.dma_semaphore, #tpu.memory_space<semaphore_mem>>) src(%dma_wait3A_957 : memref<64x128xf32, #tpu.memory_space<vmem>>) dst(%dma_wait3A_953 : memref<64x128xf32, #tpu.memory_space<hbm>>)
      %add3A_958 = arith.constant 4 : i32
      %add3A_959 = arith.addi %add3A_937, %add3A_958 : i32
      %mul3A_960 = arith.constant 64 : i32
      %mul3A_961 = arith.muli %add3A_959, %mul3A_960 : i32
      %dma_start3A_962 = arith.constant 6 : i32
      %dma_start3A_963 = arith.constant 0 : i32
      %dma_start3A_964 = arith.constant 0 : i32
      %dma_start3A_965 = tpu.memref_slice %arg6[%dma_start3A_962, %dma_start3A_963, %dma_start3A_964] : memref<8x64x128xf32, #tpu.memory_space<vmem>> -> memref<1x64x128xf32, #tpu.memory_space<vmem>>
      %dma_start3A_966 = tpu.memref_squeeze %dma_start3A_965 : memref<1x64x128xf32, #tpu.memory_space<vmem>> -> memref<64x128xf32, #tpu.memory_space<vmem>>
      %dma_start3A_967 = tpu.memref_slice %arg5[%mul3A_961] : memref<25600xi32, #tpu.memory_space<vmem>> -> memref<64xi32, #tpu.memory_space<vmem>>
      %dma_start3A_968 = arith.constant 0 : i32
      %dma_start3A_969 = arith.constant 0 : i32
      %dma_start3A_970 = tpu.memref_slice %arg2[%dma_start3A_968, %dma_start3A_969] : memref<1000000x128xf32, #tpu.memory_space<hbm>> -> memref<1000000x128xf32, #tpu.memory_space<hbm>>
      tpu.enqueue_indirect_dma source(%dma_start3A_970 : memref<1000000x128xf32, #tpu.memory_space<hbm>>) target(%dma_start3A_966 : memref<64x128xf32, #tpu.memory_space<vmem>>) offsets(%dma_start3A_967 : memref<64xi32, #tpu.memory_space<vmem>>) semaphore(%arg13 : memref<!tpu.dma_semaphore, #tpu.memory_space<semaphore_mem>>)
      %mul3A_971 = arith.constant 64 : i32
      %mul3A_972 = arith.muli %add3A_937, %mul3A_971 : i32
      %dma_wait3A_973 = arith.constant 2 : i32
      %dma_wait3A_974 = arith.constant 0 : i32
      %dma_wait3A_975 = arith.constant 0 : i32
      %dma_wait3A_976 = tpu.memref_slice %arg6[%dma_wait3A_973, %dma_wait3A_974, %dma_wait3A_975] : memref<8x64x128xf32, #tpu.memory_space<vmem>> -> memref<1x64x128xf32, #tpu.memory_space<vmem>>
      %dma_wait3A_977 = tpu.memref_squeeze %dma_wait3A_976 : memref<1x64x128xf32, #tpu.memory_space<vmem>> -> memref<64x128xf32, #tpu.memory_space<vmem>>
      %dma_wait3A_978 = tpu.memref_slice %arg5[%mul3A_972] : memref<25600xi32, #tpu.memory_space<vmem>> -> memref<64xi32, #tpu.memory_space<vmem>>
      %dma_wait3A_979 = arith.constant 0 : i32
      %dma_wait3A_980 = arith.constant 0 : i32
      %dma_wait3A_981 = tpu.memref_slice %arg2[%dma_wait3A_979, %dma_wait3A_980] : memref<1000000x128xf32, #tpu.memory_space<hbm>> -> memref<1000000x128xf32, #tpu.memory_space<hbm>>
      tpu.wait_indirect_dma semaphore(%arg9 : memref<!tpu.dma_semaphore, #tpu.memory_space<semaphore_mem>>) src(%dma_wait3A_981 : memref<1000000x128xf32, #tpu.memory_space<hbm>>) dst(%dma_wait3A_977 : memref<64x128xf32, #tpu.memory_space<vmem>>)
      %mul3A_982 = arith.constant 64 : i32
      %mul3A_983 = arith.muli %add3A_937, %mul3A_982 : i32
      %add3A_984 = arith.addi %mul3A_2, %mul3A_983 : i32
      %dma_start3A_985 = arith.constant 2 : i32
      %dma_start3A_986 = arith.constant 0 : i32
      %dma_start3A_987 = arith.constant 0 : i32
      %dma_start3A_988 = tpu.memref_slice %arg6[%dma_start3A_985, %dma_start3A_986, %dma_start3A_987] : memref<8x64x128xf32, #tpu.memory_space<vmem>> -> memref<1x64x128xf32, #tpu.memory_space<vmem>>
      %dma_start3A_989 = tpu.memref_squeeze %dma_start3A_988 : memref<1x64x128xf32, #tpu.memory_space<vmem>> -> memref<64x128xf32, #tpu.memory_space<vmem>>
      %dma_start3A_990 = arith.constant 0 : i32
      %dma_start3A_991 = tpu.memref_slice %arg4[%add3A_984, %dma_start3A_990] : memref<819200x128xf32, #tpu.memory_space<hbm>> -> memref<64x128xf32, #tpu.memory_space<hbm>>
      %dma_start3A_992 = arith.constant 0 : i32
      %dma_start3A_993 = tpu.memref_slice %arg4[%add3A_984, %dma_start3A_992] : memref<819200x128xf32, #tpu.memory_space<hbm>> -> memref<64x128xf32, #tpu.memory_space<hbm>>
      %dma_start3A_994 = arith.constant 0 : i32
      %dma_start3A_995 = arith.constant 0 : i32
      %dma_start3A_996 = tpu.memref_slice %arg6[%dma_start3A_985, %dma_start3A_994, %dma_start3A_995] : memref<8x64x128xf32, #tpu.memory_space<vmem>> -> memref<1x64x128xf32, #tpu.memory_space<vmem>>
      %dma_start3A_997 = tpu.memref_squeeze %dma_start3A_996 : memref<1x64x128xf32, #tpu.memory_space<vmem>> -> memref<64x128xf32, #tpu.memory_space<vmem>>
      tpu.enqueue_dma source(%dma_start3A_997 : memref<64x128xf32, #tpu.memory_space<vmem>>) target(%dma_start3A_993 : memref<64x128xf32, #tpu.memory_space<hbm>>) target_semaphore(%arg17 : memref<!tpu.dma_semaphore, #tpu.memory_space<semaphore_mem>>)
      %mul3A_998 = arith.constant 8 : i32
      %mul3A_999 = arith.muli %scan3A_806, %mul3A_998 : i32
      %add3A_1000 = arith.constant 3 : i32
      %add3A_1001 = arith.addi %mul3A_999, %add3A_1000 : i32
      %add3A_1002 = arith.constant 4 : i32
      %add3A_1003 = arith.addi %add3A_1001, %add3A_1002 : i32
      %sub3A_1004 = arith.constant 8 : i32
      %sub3A_1005 = arith.subi %add3A_1003, %sub3A_1004 : i32
      %mul3A_1006 = arith.constant 64 : i32
      %mul3A_1007 = arith.muli %sub3A_1005, %mul3A_1006 : i32
      %add3A_1008 = arith.addi %mul3A_2, %mul3A_1007 : i32
      %dma_wait3A_1009 = arith.constant 7 : i32
      %dma_wait3A_1010 = arith.constant 0 : i32
      %dma_wait3A_1011 = arith.constant 0 : i32
      %dma_wait3A_1012 = tpu.memref_slice %arg6[%dma_wait3A_1009, %dma_wait3A_1010, %dma_wait3A_1011] : memref<8x64x128xf32, #tpu.memory_space<vmem>> -> memref<1x64x128xf32, #tpu.memory_space<vmem>>
      %dma_wait3A_1013 = tpu.memref_squeeze %dma_wait3A_1012 : memref<1x64x128xf32, #tpu.memory_space<vmem>> -> memref<64x128xf32, #tpu.memory_space<vmem>>
      %dma_wait3A_1014 = arith.constant 0 : i32
      %dma_wait3A_1015 = tpu.memref_slice %arg4[%add3A_1008, %dma_wait3A_1014] : memref<819200x128xf32, #tpu.memory_space<hbm>> -> memref<64x128xf32, #tpu.memory_space<hbm>>
      %dma_wait3A_1016 = arith.constant 0 : i32
      %dma_wait3A_1017 = tpu.memref_slice %arg4[%add3A_1008, %dma_wait3A_1016] : memref<819200x128xf32, #tpu.memory_space<hbm>> -> memref<64x128xf32, #tpu.memory_space<hbm>>
      %dma_wait3A_1018 = arith.constant 0 : i32
      %dma_wait3A_1019 = arith.constant 0 : i32
      %dma_wait3A_1020 = tpu.memref_slice %arg6[%dma_wait3A_1009, %dma_wait3A_1018, %dma_wait3A_1019] : memref<8x64x128xf32, #tpu.memory_space<vmem>> -> memref<1x64x128xf32, #tpu.memory_space<vmem>>
      %dma_wait3A_1021 = tpu.memref_squeeze %dma_wait3A_1020 : memref<1x64x128xf32, #tpu.memory_space<vmem>> -> memref<64x128xf32, #tpu.memory_space<vmem>>
      tpu.wait_dma2 semaphore(%arg22 : memref<!tpu.dma_semaphore, #tpu.memory_space<semaphore_mem>>) src(%dma_wait3A_1021 : memref<64x128xf32, #tpu.memory_space<vmem>>) dst(%dma_wait3A_1017 : memref<64x128xf32, #tpu.memory_space<hbm>>)
      %add3A_1022 = arith.constant 4 : i32
      %add3A_1023 = arith.addi %add3A_1001, %add3A_1022 : i32
      %mul3A_1024 = arith.constant 64 : i32
      %mul3A_1025 = arith.muli %add3A_1023, %mul3A_1024 : i32
      %dma_start3A_1026 = arith.constant 7 : i32
      %dma_start3A_1027 = arith.constant 0 : i32
      %dma_start3A_1028 = arith.constant 0 : i32
      %dma_start3A_1029 = tpu.memref_slice %arg6[%dma_start3A_1026, %dma_start3A_1027, %dma_start3A_1028] : memref<8x64x128xf32, #tpu.memory_space<vmem>> -> memref<1x64x128xf32, #tpu.memory_space<vmem>>
      %dma_start3A_1030 = tpu.memref_squeeze %dma_start3A_1029 : memref<1x64x128xf32, #tpu.memory_space<vmem>> -> memref<64x128xf32, #tpu.memory_space<vmem>>
      %dma_start3A_1031 = tpu.memref_slice %arg5[%mul3A_1025] : memref<25600xi32, #tpu.memory_space<vmem>> -> memref<64xi32, #tpu.memory_space<vmem>>
      %dma_start3A_1032 = arith.constant 0 : i32
      %dma_start3A_1033 = arith.constant 0 : i32
      %dma_start3A_1034 = tpu.memref_slice %arg2[%dma_start3A_1032, %dma_start3A_1033] : memref<1000000x128xf32, #tpu.memory_space<hbm>> -> memref<1000000x128xf32, #tpu.memory_space<hbm>>
      tpu.enqueue_indirect_dma source(%dma_start3A_1034 : memref<1000000x128xf32, #tpu.memory_space<hbm>>) target(%dma_start3A_1030 : memref<64x128xf32, #tpu.memory_space<vmem>>) offsets(%dma_start3A_1031 : memref<64xi32, #tpu.memory_space<vmem>>) semaphore(%arg14 : memref<!tpu.dma_semaphore, #tpu.memory_space<semaphore_mem>>)
      %mul3A_1035 = arith.constant 64 : i32
      %mul3A_1036 = arith.muli %add3A_1001, %mul3A_1035 : i32
      %dma_wait3A_1037 = arith.constant 3 : i32
      %dma_wait3A_1038 = arith.constant 0 : i32
      %dma_wait3A_1039 = arith.constant 0 : i32
      %dma_wait3A_1040 = tpu.memref_slice %arg6[%dma_wait3A_1037, %dma_wait3A_1038, %dma_wait3A_1039] : memref<8x64x128xf32, #tpu.memory_space<vmem>> -> memref<1x64x128xf32, #tpu.memory_space<vmem>>
      %dma_wait3A_1041 = tpu.memref_squeeze %dma_wait3A_1040 : memref<1x64x128xf32, #tpu.memory_space<vmem>> -> memref<64x128xf32, #tpu.memory_space<vmem>>
      %dma_wait3A_1042 = tpu.memref_slice %arg5[%mul3A_1036] : memref<25600xi32, #tpu.memory_space<vmem>> -> memref<64xi32, #tpu.memory_space<vmem>>
      %dma_wait3A_1043 = arith.constant 0 : i32
      %dma_wait3A_1044 = arith.constant 0 : i32
      %dma_wait3A_1045 = tpu.memref_slice %arg2[%dma_wait3A_1043, %dma_wait3A_1044] : memref<1000000x128xf32, #tpu.memory_space<hbm>> -> memref<1000000x128xf32, #tpu.memory_space<hbm>>
      tpu.wait_indirect_dma semaphore(%arg10 : memref<!tpu.dma_semaphore, #tpu.memory_space<semaphore_mem>>) src(%dma_wait3A_1045 : memref<1000000x128xf32, #tpu.memory_space<hbm>>) dst(%dma_wait3A_1041 : memref<64x128xf32, #tpu.memory_space<vmem>>)
      %mul3A_1046 = arith.constant 64 : i32
      %mul3A_1047 = arith.muli %add3A_1001, %mul3A_1046 : i32
      %add3A_1048 = arith.addi %mul3A_2, %mul3A_1047 : i32
      %dma_start3A_1049 = arith.constant 3 : i32
      %dma_start3A_1050 = arith.constant 0 : i32
      %dma_start3A_1051 = arith.constant 0 : i32
      %dma_start3A_1052 = tpu.memref_slice %arg6[%dma_start3A_1049, %dma_start3A_1050, %dma_start3A_1051] : memref<8x64x128xf32, #tpu.memory_space<vmem>> -> memref<1x64x128xf32, #tpu.memory_space<vmem>>
      %dma_start3A_1053 = tpu.memref_squeeze %dma_start3A_1052 : memref<1x64x128xf32, #tpu.memory_space<vmem>> -> memref<64x128xf32, #tpu.memory_space<vmem>>
      %dma_start3A_1054 = arith.constant 0 : i32
      %dma_start3A_1055 = tpu.memref_slice %arg4[%add3A_1048, %dma_start3A_1054] : memref<819200x128xf32, #tpu.memory_space<hbm>> -> memref<64x128xf32, #tpu.memory_space<hbm>>
      %dma_start3A_1056 = arith.constant 0 : i32
      %dma_start3A_1057 = tpu.memref_slice %arg4[%add3A_1048, %dma_start3A_1056] : memref<819200x128xf32, #tpu.memory_space<hbm>> -> memref<64x128xf32, #tpu.memory_space<hbm>>
      %dma_start3A_1058 = arith.constant 0 : i32
      %dma_start3A_1059 = arith.constant 0 : i32
      %dma_start3A_1060 = tpu.memref_slice %arg6[%dma_start3A_1049, %dma_start3A_1058, %dma_start3A_1059] : memref<8x64x128xf32, #tpu.memory_space<vmem>> -> memref<1x64x128xf32, #tpu.memory_space<vmem>>
      %dma_start3A_1061 = tpu.memref_squeeze %dma_start3A_1060 : memref<1x64x128xf32, #tpu.memory_space<vmem>> -> memref<64x128xf32, #tpu.memory_space<vmem>>
      tpu.enqueue_dma source(%dma_start3A_1061 : memref<64x128xf32, #tpu.memory_space<vmem>>) target(%dma_start3A_1057 : memref<64x128xf32, #tpu.memory_space<hbm>>) target_semaphore(%arg18 : memref<!tpu.dma_semaphore, #tpu.memory_space<semaphore_mem>>)
      %mul3A_1062 = arith.constant 8 : i32
      %mul3A_1063 = arith.muli %scan3A_806, %mul3A_1062 : i32
      %add3A_1064 = arith.constant 4 : i32
      %add3A_1065 = arith.addi %mul3A_1063, %add3A_1064 : i32
      %add3A_1066 = arith.constant 4 : i32
      %add3A_1067 = arith.addi %add3A_1065, %add3A_1066 : i32
      %sub3A_1068 = arith.constant 8 : i32
      %sub3A_1069 = arith.subi %add3A_1067, %sub3A_1068 : i32
      %mul3A_1070 = arith.constant 64 : i32
      %mul3A_1071 = arith.muli %sub3A_1069, %mul3A_1070 : i32
      %add3A_1072 = arith.addi %mul3A_2, %mul3A_1071 : i32
      %dma_wait3A_1073 = arith.constant 0 : i32
      %dma_wait3A_1074 = arith.constant 0 : i32
      %dma_wait3A_1075 = arith.constant 0 : i32
      %dma_wait3A_1076 = tpu.memref_slice %arg6[%dma_wait3A_1073, %dma_wait3A_1074, %dma_wait3A_1075] : memref<8x64x128xf32, #tpu.memory_space<vmem>> -> memref<1x64x128xf32, #tpu.memory_space<vmem>>
      %dma_wait3A_1077 = tpu.memref_squeeze %dma_wait3A_1076 : memref<1x64x128xf32, #tpu.memory_space<vmem>> -> memref<64x128xf32, #tpu.memory_space<vmem>>
      %dma_wait3A_1078 = arith.constant 0 : i32
      %dma_wait3A_1079 = tpu.memref_slice %arg4[%add3A_1072, %dma_wait3A_1078] : memref<819200x128xf32, #tpu.memory_space<hbm>> -> memref<64x128xf32, #tpu.memory_space<hbm>>
      %dma_wait3A_1080 = arith.constant 0 : i32
      %dma_wait3A_1081 = tpu.memref_slice %arg4[%add3A_1072, %dma_wait3A_1080] : memref<819200x128xf32, #tpu.memory_space<hbm>> -> memref<64x128xf32, #tpu.memory_space<hbm>>
      %dma_wait3A_1082 = arith.constant 0 : i32
      %dma_wait3A_1083 = arith.constant 0 : i32
      %dma_wait3A_1084 = tpu.memref_slice %arg6[%dma_wait3A_1073, %dma_wait3A_1082, %dma_wait3A_1083] : memref<8x64x128xf32, #tpu.memory_space<vmem>> -> memref<1x64x128xf32, #tpu.memory_space<vmem>>
      %dma_wait3A_1085 = tpu.memref_squeeze %dma_wait3A_1084 : memref<1x64x128xf32, #tpu.memory_space<vmem>> -> memref<64x128xf32, #tpu.memory_space<vmem>>
      tpu.wait_dma2 semaphore(%arg15 : memref<!tpu.dma_semaphore, #tpu.memory_space<semaphore_mem>>) src(%dma_wait3A_1085 : memref<64x128xf32, #tpu.memory_space<vmem>>) dst(%dma_wait3A_1081 : memref<64x128xf32, #tpu.memory_space<hbm>>)
      %add3A_1086 = arith.constant 4 : i32
      %add3A_1087 = arith.addi %add3A_1065, %add3A_1086 : i32
      %mul3A_1088 = arith.constant 64 : i32
      %mul3A_1089 = arith.muli %add3A_1087, %mul3A_1088 : i32
      %dma_start3A_1090 = arith.constant 0 : i32
      %dma_start3A_1091 = arith.constant 0 : i32
      %dma_start3A_1092 = arith.constant 0 : i32
      %dma_start3A_1093 = tpu.memref_slice %arg6[%dma_start3A_1090, %dma_start3A_1091, %dma_start3A_1092] : memref<8x64x128xf32, #tpu.memory_space<vmem>> -> memref<1x64x128xf32, #tpu.memory_space<vmem>>
      %dma_start3A_1094 = tpu.memref_squeeze %dma_start3A_1093 : memref<1x64x128xf32, #tpu.memory_space<vmem>> -> memref<64x128xf32, #tpu.memory_space<vmem>>
      %dma_start3A_1095 = tpu.memref_slice %arg5[%mul3A_1089] : memref<25600xi32, #tpu.memory_space<vmem>> -> memref<64xi32, #tpu.memory_space<vmem>>
      %dma_start3A_1096 = arith.constant 0 : i32
      %dma_start3A_1097 = arith.constant 0 : i32
      %dma_start3A_1098 = tpu.memref_slice %arg2[%dma_start3A_1096, %dma_start3A_1097] : memref<1000000x128xf32, #tpu.memory_space<hbm>> -> memref<1000000x128xf32, #tpu.memory_space<hbm>>
      tpu.enqueue_indirect_dma source(%dma_start3A_1098 : memref<1000000x128xf32, #tpu.memory_space<hbm>>) target(%dma_start3A_1094 : memref<64x128xf32, #tpu.memory_space<vmem>>) offsets(%dma_start3A_1095 : memref<64xi32, #tpu.memory_space<vmem>>) semaphore(%arg7 : memref<!tpu.dma_semaphore, #tpu.memory_space<semaphore_mem>>)
      %mul3A_1099 = arith.constant 64 : i32
      %mul3A_1100 = arith.muli %add3A_1065, %mul3A_1099 : i32
      %dma_wait3A_1101 = arith.constant 4 : i32
      %dma_wait3A_1102 = arith.constant 0 : i32
      %dma_wait3A_1103 = arith.constant 0 : i32
      %dma_wait3A_1104 = tpu.memref_slice %arg6[%dma_wait3A_1101, %dma_wait3A_1102, %dma_wait3A_1103] : memref<8x64x128xf32, #tpu.memory_space<vmem>> -> memref<1x64x128xf32, #tpu.memory_space<vmem>>
      %dma_wait3A_1105 = tpu.memref_squeeze %dma_wait3A_1104 : memref<1x64x128xf32, #tpu.memory_space<vmem>> -> memref<64x128xf32, #tpu.memory_space<vmem>>
      %dma_wait3A_1106 = tpu.memref_slice %arg5[%mul3A_1100] : memref<25600xi32, #tpu.memory_space<vmem>> -> memref<64xi32, #tpu.memory_space<vmem>>
      %dma_wait3A_1107 = arith.constant 0 : i32
      %dma_wait3A_1108 = arith.constant 0 : i32
      %dma_wait3A_1109 = tpu.memref_slice %arg2[%dma_wait3A_1107, %dma_wait3A_1108] : memref<1000000x128xf32, #tpu.memory_space<hbm>> -> memref<1000000x128xf32, #tpu.memory_space<hbm>>
      tpu.wait_indirect_dma semaphore(%arg11 : memref<!tpu.dma_semaphore, #tpu.memory_space<semaphore_mem>>) src(%dma_wait3A_1109 : memref<1000000x128xf32, #tpu.memory_space<hbm>>) dst(%dma_wait3A_1105 : memref<64x128xf32, #tpu.memory_space<vmem>>)
      %mul3A_1110 = arith.constant 64 : i32
      %mul3A_1111 = arith.muli %add3A_1065, %mul3A_1110 : i32
      %add3A_1112 = arith.addi %mul3A_2, %mul3A_1111 : i32
      %dma_start3A_1113 = arith.constant 4 : i32
      %dma_start3A_1114 = arith.constant 0 : i32
      %dma_start3A_1115 = arith.constant 0 : i32
      %dma_start3A_1116 = tpu.memref_slice %arg6[%dma_start3A_1113, %dma_start3A_1114, %dma_start3A_1115] : memref<8x64x128xf32, #tpu.memory_space<vmem>> -> memref<1x64x128xf32, #tpu.memory_space<vmem>>
      %dma_start3A_1117 = tpu.memref_squeeze %dma_start3A_1116 : memref<1x64x128xf32, #tpu.memory_space<vmem>> -> memref<64x128xf32, #tpu.memory_space<vmem>>
      %dma_start3A_1118 = arith.constant 0 : i32
      %dma_start3A_1119 = tpu.memref_slice %arg4[%add3A_1112, %dma_start3A_1118] : memref<819200x128xf32, #tpu.memory_space<hbm>> -> memref<64x128xf32, #tpu.memory_space<hbm>>
      %dma_start3A_1120 = arith.constant 0 : i32
      %dma_start3A_1121 = tpu.memref_slice %arg4[%add3A_1112, %dma_start3A_1120] : memref<819200x128xf32, #tpu.memory_space<hbm>> -> memref<64x128xf32, #tpu.memory_space<hbm>>
      %dma_start3A_1122 = arith.constant 0 : i32
      %dma_start3A_1123 = arith.constant 0 : i32
      %dma_start3A_1124 = tpu.memref_slice %arg6[%dma_start3A_1113, %dma_start3A_1122, %dma_start3A_1123] : memref<8x64x128xf32, #tpu.memory_space<vmem>> -> memref<1x64x128xf32, #tpu.memory_space<vmem>>
      %dma_start3A_1125 = tpu.memref_squeeze %dma_start3A_1124 : memref<1x64x128xf32, #tpu.memory_space<vmem>> -> memref<64x128xf32, #tpu.memory_space<vmem>>
      tpu.enqueue_dma source(%dma_start3A_1125 : memref<64x128xf32, #tpu.memory_space<vmem>>) target(%dma_start3A_1121 : memref<64x128xf32, #tpu.memory_space<hbm>>) target_semaphore(%arg19 : memref<!tpu.dma_semaphore, #tpu.memory_space<semaphore_mem>>)
      %mul3A_1126 = arith.constant 8 : i32
      %mul3A_1127 = arith.muli %scan3A_806, %mul3A_1126 : i32
      %add3A_1128 = arith.constant 5 : i32
      %add3A_1129 = arith.addi %mul3A_1127, %add3A_1128 : i32
      %add3A_1130 = arith.constant 4 : i32
      %add3A_1131 = arith.addi %add3A_1129, %add3A_1130 : i32
      %sub3A_1132 = arith.constant 8 : i32
      %sub3A_1133 = arith.subi %add3A_1131, %sub3A_1132 : i32
      %mul3A_1134 = arith.constant 64 : i32
      %mul3A_1135 = arith.muli %sub3A_1133, %mul3A_1134 : i32
      %add3A_1136 = arith.addi %mul3A_2, %mul3A_1135 : i32
      %dma_wait3A_1137 = arith.constant 1 : i32
      %dma_wait3A_1138 = arith.constant 0 : i32
      %dma_wait3A_1139 = arith.constant 0 : i32
      %dma_wait3A_1140 = tpu.memref_slice %arg6[%dma_wait3A_1137, %dma_wait3A_1138, %dma_wait3A_1139] : memref<8x64x128xf32, #tpu.memory_space<vmem>> -> memref<1x64x128xf32, #tpu.memory_space<vmem>>
      %dma_wait3A_1141 = tpu.memref_squeeze %dma_wait3A_1140 : memref<1x64x128xf32, #tpu.memory_space<vmem>> -> memref<64x128xf32, #tpu.memory_space<vmem>>
      %dma_wait3A_1142 = arith.constant 0 : i32
      %dma_wait3A_1143 = tpu.memref_slice %arg4[%add3A_1136, %dma_wait3A_1142] : memref<819200x128xf32, #tpu.memory_space<hbm>> -> memref<64x128xf32, #tpu.memory_space<hbm>>
      %dma_wait3A_1144 = arith.constant 0 : i32
      %dma_wait3A_1145 = tpu.memref_slice %arg4[%add3A_1136, %dma_wait3A_1144] : memref<819200x128xf32, #tpu.memory_space<hbm>> -> memref<64x128xf32, #tpu.memory_space<hbm>>
      %dma_wait3A_1146 = arith.constant 0 : i32
      %dma_wait3A_1147 = arith.constant 0 : i32
      %dma_wait3A_1148 = tpu.memref_slice %arg6[%dma_wait3A_1137, %dma_wait3A_1146, %dma_wait3A_1147] : memref<8x64x128xf32, #tpu.memory_space<vmem>> -> memref<1x64x128xf32, #tpu.memory_space<vmem>>
      %dma_wait3A_1149 = tpu.memref_squeeze %dma_wait3A_1148 : memref<1x64x128xf32, #tpu.memory_space<vmem>> -> memref<64x128xf32, #tpu.memory_space<vmem>>
      tpu.wait_dma2 semaphore(%arg16 : memref<!tpu.dma_semaphore, #tpu.memory_space<semaphore_mem>>) src(%dma_wait3A_1149 : memref<64x128xf32, #tpu.memory_space<vmem>>) dst(%dma_wait3A_1145 : memref<64x128xf32, #tpu.memory_space<hbm>>)
      %add3A_1150 = arith.constant 4 : i32
      %add3A_1151 = arith.addi %add3A_1129, %add3A_1150 : i32
      %mul3A_1152 = arith.constant 64 : i32
      %mul3A_1153 = arith.muli %add3A_1151, %mul3A_1152 : i32
      %dma_start3A_1154 = arith.constant 1 : i32
      %dma_start3A_1155 = arith.constant 0 : i32
      %dma_start3A_1156 = arith.constant 0 : i32
      %dma_start3A_1157 = tpu.memref_slice %arg6[%dma_start3A_1154, %dma_start3A_1155, %dma_start3A_1156] : memref<8x64x128xf32, #tpu.memory_space<vmem>> -> memref<1x64x128xf32, #tpu.memory_space<vmem>>
      %dma_start3A_1158 = tpu.memref_squeeze %dma_start3A_1157 : memref<1x64x128xf32, #tpu.memory_space<vmem>> -> memref<64x128xf32, #tpu.memory_space<vmem>>
      %dma_start3A_1159 = tpu.memref_slice %arg5[%mul3A_1153] : memref<25600xi32, #tpu.memory_space<vmem>> -> memref<64xi32, #tpu.memory_space<vmem>>
      %dma_start3A_1160 = arith.constant 0 : i32
      %dma_start3A_1161 = arith.constant 0 : i32
      %dma_start3A_1162 = tpu.memref_slice %arg2[%dma_start3A_1160, %dma_start3A_1161] : memref<1000000x128xf32, #tpu.memory_space<hbm>> -> memref<1000000x128xf32, #tpu.memory_space<hbm>>
      tpu.enqueue_indirect_dma source(%dma_start3A_1162 : memref<1000000x128xf32, #tpu.memory_space<hbm>>) target(%dma_start3A_1158 : memref<64x128xf32, #tpu.memory_space<vmem>>) offsets(%dma_start3A_1159 : memref<64xi32, #tpu.memory_space<vmem>>) semaphore(%arg8 : memref<!tpu.dma_semaphore, #tpu.memory_space<semaphore_mem>>)
      %mul3A_1163 = arith.constant 64 : i32
      %mul3A_1164 = arith.muli %add3A_1129, %mul3A_1163 : i32
      %dma_wait3A_1165 = arith.constant 5 : i32
      %dma_wait3A_1166 = arith.constant 0 : i32
      %dma_wait3A_1167 = arith.constant 0 : i32
      %dma_wait3A_1168 = tpu.memref_slice %arg6[%dma_wait3A_1165, %dma_wait3A_1166, %dma_wait3A_1167] : memref<8x64x128xf32, #tpu.memory_space<vmem>> -> memref<1x64x128xf32, #tpu.memory_space<vmem>>
      %dma_wait3A_1169 = tpu.memref_squeeze %dma_wait3A_1168 : memref<1x64x128xf32, #tpu.memory_space<vmem>> -> memref<64x128xf32, #tpu.memory_space<vmem>>
      %dma_wait3A_1170 = tpu.memref_slice %arg5[%mul3A_1164] : memref<25600xi32, #tpu.memory_space<vmem>> -> memref<64xi32, #tpu.memory_space<vmem>>
      %dma_wait3A_1171 = arith.constant 0 : i32
      %dma_wait3A_1172 = arith.constant 0 : i32
      %dma_wait3A_1173 = tpu.memref_slice %arg2[%dma_wait3A_1171, %dma_wait3A_1172] : memref<1000000x128xf32, #tpu.memory_space<hbm>> -> memref<1000000x128xf32, #tpu.memory_space<hbm>>
      tpu.wait_indirect_dma semaphore(%arg12 : memref<!tpu.dma_semaphore, #tpu.memory_space<semaphore_mem>>) src(%dma_wait3A_1173 : memref<1000000x128xf32, #tpu.memory_space<hbm>>) dst(%dma_wait3A_1169 : memref<64x128xf32, #tpu.memory_space<vmem>>)
      %mul3A_1174 = arith.constant 64 : i32
      %mul3A_1175 = arith.muli %add3A_1129, %mul3A_1174 : i32
      %add3A_1176 = arith.addi %mul3A_2, %mul3A_1175 : i32
      %dma_start3A_1177 = arith.constant 5 : i32
      %dma_start3A_1178 = arith.constant 0 : i32
      %dma_start3A_1179 = arith.constant 0 : i32
      %dma_start3A_1180 = tpu.memref_slice %arg6[%dma_start3A_1177, %dma_start3A_1178, %dma_start3A_1179] : memref<8x64x128xf32, #tpu.memory_space<vmem>> -> memref<1x64x128xf32, #tpu.memory_space<vmem>>
      %dma_start3A_1181 = tpu.memref_squeeze %dma_start3A_1180 : memref<1x64x128xf32, #tpu.memory_space<vmem>> -> memref<64x128xf32, #tpu.memory_space<vmem>>
      %dma_start3A_1182 = arith.constant 0 : i32
      %dma_start3A_1183 = tpu.memref_slice %arg4[%add3A_1176, %dma_start3A_1182] : memref<819200x128xf32, #tpu.memory_space<hbm>> -> memref<64x128xf32, #tpu.memory_space<hbm>>
      %dma_start3A_1184 = arith.constant 0 : i32
      %dma_start3A_1185 = tpu.memref_slice %arg4[%add3A_1176, %dma_start3A_1184] : memref<819200x128xf32, #tpu.memory_space<hbm>> -> memref<64x128xf32, #tpu.memory_space<hbm>>
      %dma_start3A_1186 = arith.constant 0 : i32
      %dma_start3A_1187 = arith.constant 0 : i32
      %dma_start3A_1188 = tpu.memref_slice %arg6[%dma_start3A_1177, %dma_start3A_1186, %dma_start3A_1187] : memref<8x64x128xf32, #tpu.memory_space<vmem>> -> memref<1x64x128xf32, #tpu.memory_space<vmem>>
      %dma_start3A_1189 = tpu.memref_squeeze %dma_start3A_1188 : memref<1x64x128xf32, #tpu.memory_space<vmem>> -> memref<64x128xf32, #tpu.memory_space<vmem>>
      tpu.enqueue_dma source(%dma_start3A_1189 : memref<64x128xf32, #tpu.memory_space<vmem>>) target(%dma_start3A_1185 : memref<64x128xf32, #tpu.memory_space<hbm>>) target_semaphore(%arg20 : memref<!tpu.dma_semaphore, #tpu.memory_space<semaphore_mem>>)
      %mul3A_1190 = arith.constant 8 : i32
      %mul3A_1191 = arith.muli %scan3A_806, %mul3A_1190 : i32
      %add3A_1192 = arith.constant 6 : i32
      %add3A_1193 = arith.addi %mul3A_1191, %add3A_1192 : i32
      %add3A_1194 = arith.constant 4 : i32
      %add3A_1195 = arith.addi %add3A_1193, %add3A_1194 : i32
      %sub3A_1196 = arith.constant 8 : i32
      %sub3A_1197 = arith.subi %add3A_1195, %sub3A_1196 : i32
      %mul3A_1198 = arith.constant 64 : i32
      %mul3A_1199 = arith.muli %sub3A_1197, %mul3A_1198 : i32
      %add3A_1200 = arith.addi %mul3A_2, %mul3A_1199 : i32
      %dma_wait3A_1201 = arith.constant 2 : i32
      %dma_wait3A_1202 = arith.constant 0 : i32
      %dma_wait3A_1203 = arith.constant 0 : i32
      %dma_wait3A_1204 = tpu.memref_slice %arg6[%dma_wait3A_1201, %dma_wait3A_1202, %dma_wait3A_1203] : memref<8x64x128xf32, #tpu.memory_space<vmem>> -> memref<1x64x128xf32, #tpu.memory_space<vmem>>
      %dma_wait3A_1205 = tpu.memref_squeeze %dma_wait3A_1204 : memref<1x64x128xf32, #tpu.memory_space<vmem>> -> memref<64x128xf32, #tpu.memory_space<vmem>>
      %dma_wait3A_1206 = arith.constant 0 : i32
      %dma_wait3A_1207 = tpu.memref_slice %arg4[%add3A_1200, %dma_wait3A_1206] : memref<819200x128xf32, #tpu.memory_space<hbm>> -> memref<64x128xf32, #tpu.memory_space<hbm>>
      %dma_wait3A_1208 = arith.constant 0 : i32
      %dma_wait3A_1209 = tpu.memref_slice %arg4[%add3A_1200, %dma_wait3A_1208] : memref<819200x128xf32, #tpu.memory_space<hbm>> -> memref<64x128xf32, #tpu.memory_space<hbm>>
      %dma_wait3A_1210 = arith.constant 0 : i32
      %dma_wait3A_1211 = arith.constant 0 : i32
      %dma_wait3A_1212 = tpu.memref_slice %arg6[%dma_wait3A_1201, %dma_wait3A_1210, %dma_wait3A_1211] : memref<8x64x128xf32, #tpu.memory_space<vmem>> -> memref<1x64x128xf32, #tpu.memory_space<vmem>>
      %dma_wait3A_1213 = tpu.memref_squeeze %dma_wait3A_1212 : memref<1x64x128xf32, #tpu.memory_space<vmem>> -> memref<64x128xf32, #tpu.memory_space<vmem>>
      tpu.wait_dma2 semaphore(%arg17 : memref<!tpu.dma_semaphore, #tpu.memory_space<semaphore_mem>>) src(%dma_wait3A_1213 : memref<64x128xf32, #tpu.memory_space<vmem>>) dst(%dma_wait3A_1209 : memref<64x128xf32, #tpu.memory_space<hbm>>)
      %add3A_1214 = arith.constant 4 : i32
      %add3A_1215 = arith.addi %add3A_1193, %add3A_1214 : i32
      %mul3A_1216 = arith.constant 64 : i32
      %mul3A_1217 = arith.muli %add3A_1215, %mul3A_1216 : i32
      %dma_start3A_1218 = arith.constant 2 : i32
      %dma_start3A_1219 = arith.constant 0 : i32
      %dma_start3A_1220 = arith.constant 0 : i32
      %dma_start3A_1221 = tpu.memref_slice %arg6[%dma_start3A_1218, %dma_start3A_1219, %dma_start3A_1220] : memref<8x64x128xf32, #tpu.memory_space<vmem>> -> memref<1x64x128xf32, #tpu.memory_space<vmem>>
      %dma_start3A_1222 = tpu.memref_squeeze %dma_start3A_1221 : memref<1x64x128xf32, #tpu.memory_space<vmem>> -> memref<64x128xf32, #tpu.memory_space<vmem>>
      %dma_start3A_1223 = tpu.memref_slice %arg5[%mul3A_1217] : memref<25600xi32, #tpu.memory_space<vmem>> -> memref<64xi32, #tpu.memory_space<vmem>>
      %dma_start3A_1224 = arith.constant 0 : i32
      %dma_start3A_1225 = arith.constant 0 : i32
      %dma_start3A_1226 = tpu.memref_slice %arg2[%dma_start3A_1224, %dma_start3A_1225] : memref<1000000x128xf32, #tpu.memory_space<hbm>> -> memref<1000000x128xf32, #tpu.memory_space<hbm>>
      tpu.enqueue_indirect_dma source(%dma_start3A_1226 : memref<1000000x128xf32, #tpu.memory_space<hbm>>) target(%dma_start3A_1222 : memref<64x128xf32, #tpu.memory_space<vmem>>) offsets(%dma_start3A_1223 : memref<64xi32, #tpu.memory_space<vmem>>) semaphore(%arg9 : memref<!tpu.dma_semaphore, #tpu.memory_space<semaphore_mem>>)
      %mul3A_1227 = arith.constant 64 : i32
      %mul3A_1228 = arith.muli %add3A_1193, %mul3A_1227 : i32
      %dma_wait3A_1229 = arith.constant 6 : i32
      %dma_wait3A_1230 = arith.constant 0 : i32
      %dma_wait3A_1231 = arith.constant 0 : i32
      %dma_wait3A_1232 = tpu.memref_slice %arg6[%dma_wait3A_1229, %dma_wait3A_1230, %dma_wait3A_1231] : memref<8x64x128xf32, #tpu.memory_space<vmem>> -> memref<1x64x128xf32, #tpu.memory_space<vmem>>
      %dma_wait3A_1233 = tpu.memref_squeeze %dma_wait3A_1232 : memref<1x64x128xf32, #tpu.memory_space<vmem>> -> memref<64x128xf32, #tpu.memory_space<vmem>>
      %dma_wait3A_1234 = tpu.memref_slice %arg5[%mul3A_1228] : memref<25600xi32, #tpu.memory_space<vmem>> -> memref<64xi32, #tpu.memory_space<vmem>>
      %dma_wait3A_1235 = arith.constant 0 : i32
      %dma_wait3A_1236 = arith.constant 0 : i32
      %dma_wait3A_1237 = tpu.memref_slice %arg2[%dma_wait3A_1235, %dma_wait3A_1236] : memref<1000000x128xf32, #tpu.memory_space<hbm>> -> memref<1000000x128xf32, #tpu.memory_space<hbm>>
      tpu.wait_indirect_dma semaphore(%arg13 : memref<!tpu.dma_semaphore, #tpu.memory_space<semaphore_mem>>) src(%dma_wait3A_1237 : memref<1000000x128xf32, #tpu.memory_space<hbm>>) dst(%dma_wait3A_1233 : memref<64x128xf32, #tpu.memory_space<vmem>>)
      %mul3A_1238 = arith.constant 64 : i32
      %mul3A_1239 = arith.muli %add3A_1193, %mul3A_1238 : i32
      %add3A_1240 = arith.addi %mul3A_2, %mul3A_1239 : i32
      %dma_start3A_1241 = arith.constant 6 : i32
      %dma_start3A_1242 = arith.constant 0 : i32
      %dma_start3A_1243 = arith.constant 0 : i32
      %dma_start3A_1244 = tpu.memref_slice %arg6[%dma_start3A_1241, %dma_start3A_1242, %dma_start3A_1243] : memref<8x64x128xf32, #tpu.memory_space<vmem>> -> memref<1x64x128xf32, #tpu.memory_space<vmem>>
      %dma_start3A_1245 = tpu.memref_squeeze %dma_start3A_1244 : memref<1x64x128xf32, #tpu.memory_space<vmem>> -> memref<64x128xf32, #tpu.memory_space<vmem>>
      %dma_start3A_1246 = arith.constant 0 : i32
      %dma_start3A_1247 = tpu.memref_slice %arg4[%add3A_1240, %dma_start3A_1246] : memref<819200x128xf32, #tpu.memory_space<hbm>> -> memref<64x128xf32, #tpu.memory_space<hbm>>
      %dma_start3A_1248 = arith.constant 0 : i32
      %dma_start3A_1249 = tpu.memref_slice %arg4[%add3A_1240, %dma_start3A_1248] : memref<819200x128xf32, #tpu.memory_space<hbm>> -> memref<64x128xf32, #tpu.memory_space<hbm>>
      %dma_start3A_1250 = arith.constant 0 : i32
      %dma_start3A_1251 = arith.constant 0 : i32
      %dma_start3A_1252 = tpu.memref_slice %arg6[%dma_start3A_1241, %dma_start3A_1250, %dma_start3A_1251] : memref<8x64x128xf32, #tpu.memory_space<vmem>> -> memref<1x64x128xf32, #tpu.memory_space<vmem>>
      %dma_start3A_1253 = tpu.memref_squeeze %dma_start3A_1252 : memref<1x64x128xf32, #tpu.memory_space<vmem>> -> memref<64x128xf32, #tpu.memory_space<vmem>>
      tpu.enqueue_dma source(%dma_start3A_1253 : memref<64x128xf32, #tpu.memory_space<vmem>>) target(%dma_start3A_1249 : memref<64x128xf32, #tpu.memory_space<hbm>>) target_semaphore(%arg21 : memref<!tpu.dma_semaphore, #tpu.memory_space<semaphore_mem>>)
      %mul3A_1254 = arith.constant 8 : i32
      %mul3A_1255 = arith.muli %scan3A_806, %mul3A_1254 : i32
      %add3A_1256 = arith.constant 7 : i32
      %add3A_1257 = arith.addi %mul3A_1255, %add3A_1256 : i32
      %add3A_1258 = arith.constant 4 : i32
      %add3A_1259 = arith.addi %add3A_1257, %add3A_1258 : i32
      %sub3A_1260 = arith.constant 8 : i32
      %sub3A_1261 = arith.subi %add3A_1259, %sub3A_1260 : i32
      %mul3A_1262 = arith.constant 64 : i32
      %mul3A_1263 = arith.muli %sub3A_1261, %mul3A_1262 : i32
      %add3A_1264 = arith.addi %mul3A_2, %mul3A_1263 : i32
      %dma_wait3A_1265 = arith.constant 3 : i32
      %dma_wait3A_1266 = arith.constant 0 : i32
      %dma_wait3A_1267 = arith.constant 0 : i32
      %dma_wait3A_1268 = tpu.memref_slice %arg6[%dma_wait3A_1265, %dma_wait3A_1266, %dma_wait3A_1267] : memref<8x64x128xf32, #tpu.memory_space<vmem>> -> memref<1x64x128xf32, #tpu.memory_space<vmem>>
      %dma_wait3A_1269 = tpu.memref_squeeze %dma_wait3A_1268 : memref<1x64x128xf32, #tpu.memory_space<vmem>> -> memref<64x128xf32, #tpu.memory_space<vmem>>
      %dma_wait3A_1270 = arith.constant 0 : i32
      %dma_wait3A_1271 = tpu.memref_slice %arg4[%add3A_1264, %dma_wait3A_1270] : memref<819200x128xf32, #tpu.memory_space<hbm>> -> memref<64x128xf32, #tpu.memory_space<hbm>>
      %dma_wait3A_1272 = arith.constant 0 : i32
      %dma_wait3A_1273 = tpu.memref_slice %arg4[%add3A_1264, %dma_wait3A_1272] : memref<819200x128xf32, #tpu.memory_space<hbm>> -> memref<64x128xf32, #tpu.memory_space<hbm>>
      %dma_wait3A_1274 = arith.constant 0 : i32
      %dma_wait3A_1275 = arith.constant 0 : i32
      %dma_wait3A_1276 = tpu.memref_slice %arg6[%dma_wait3A_1265, %dma_wait3A_1274, %dma_wait3A_1275] : memref<8x64x128xf32, #tpu.memory_space<vmem>> -> memref<1x64x128xf32, #tpu.memory_space<vmem>>
      %dma_wait3A_1277 = tpu.memref_squeeze %dma_wait3A_1276 : memref<1x64x128xf32, #tpu.memory_space<vmem>> -> memref<64x128xf32, #tpu.memory_space<vmem>>
      tpu.wait_dma2 semaphore(%arg18 : memref<!tpu.dma_semaphore, #tpu.memory_space<semaphore_mem>>) src(%dma_wait3A_1277 : memref<64x128xf32, #tpu.memory_space<vmem>>) dst(%dma_wait3A_1273 : memref<64x128xf32, #tpu.memory_space<hbm>>)
      %add3A_1278 = arith.constant 4 : i32
      %add3A_1279 = arith.addi %add3A_1257, %add3A_1278 : i32
      %mul3A_1280 = arith.constant 64 : i32
      %mul3A_1281 = arith.muli %add3A_1279, %mul3A_1280 : i32
      %dma_start3A_1282 = arith.constant 3 : i32
      %dma_start3A_1283 = arith.constant 0 : i32
      %dma_start3A_1284 = arith.constant 0 : i32
      %dma_start3A_1285 = tpu.memref_slice %arg6[%dma_start3A_1282, %dma_start3A_1283, %dma_start3A_1284] : memref<8x64x128xf32, #tpu.memory_space<vmem>> -> memref<1x64x128xf32, #tpu.memory_space<vmem>>
      %dma_start3A_1286 = tpu.memref_squeeze %dma_start3A_1285 : memref<1x64x128xf32, #tpu.memory_space<vmem>> -> memref<64x128xf32, #tpu.memory_space<vmem>>
      %dma_start3A_1287 = tpu.memref_slice %arg5[%mul3A_1281] : memref<25600xi32, #tpu.memory_space<vmem>> -> memref<64xi32, #tpu.memory_space<vmem>>
      %dma_start3A_1288 = arith.constant 0 : i32
      %dma_start3A_1289 = arith.constant 0 : i32
      %dma_start3A_1290 = tpu.memref_slice %arg2[%dma_start3A_1288, %dma_start3A_1289] : memref<1000000x128xf32, #tpu.memory_space<hbm>> -> memref<1000000x128xf32, #tpu.memory_space<hbm>>
      tpu.enqueue_indirect_dma source(%dma_start3A_1290 : memref<1000000x128xf32, #tpu.memory_space<hbm>>) target(%dma_start3A_1286 : memref<64x128xf32, #tpu.memory_space<vmem>>) offsets(%dma_start3A_1287 : memref<64xi32, #tpu.memory_space<vmem>>) semaphore(%arg10 : memref<!tpu.dma_semaphore, #tpu.memory_space<semaphore_mem>>)
      %mul3A_1291 = arith.constant 64 : i32
      %mul3A_1292 = arith.muli %add3A_1257, %mul3A_1291 : i32
      %dma_wait3A_1293 = arith.constant 7 : i32
      %dma_wait3A_1294 = arith.constant 0 : i32
      %dma_wait3A_1295 = arith.constant 0 : i32
      %dma_wait3A_1296 = tpu.memref_slice %arg6[%dma_wait3A_1293, %dma_wait3A_1294, %dma_wait3A_1295] : memref<8x64x128xf32, #tpu.memory_space<vmem>> -> memref<1x64x128xf32, #tpu.memory_space<vmem>>
      %dma_wait3A_1297 = tpu.memref_squeeze %dma_wait3A_1296 : memref<1x64x128xf32, #tpu.memory_space<vmem>> -> memref<64x128xf32, #tpu.memory_space<vmem>>
      %dma_wait3A_1298 = tpu.memref_slice %arg5[%mul3A_1292] : memref<25600xi32, #tpu.memory_space<vmem>> -> memref<64xi32, #tpu.memory_space<vmem>>
      %dma_wait3A_1299 = arith.constant 0 : i32
      %dma_wait3A_1300 = arith.constant 0 : i32
      %dma_wait3A_1301 = tpu.memref_slice %arg2[%dma_wait3A_1299, %dma_wait3A_1300] : memref<1000000x128xf32, #tpu.memory_space<hbm>> -> memref<1000000x128xf32, #tpu.memory_space<hbm>>
      tpu.wait_indirect_dma semaphore(%arg14 : memref<!tpu.dma_semaphore, #tpu.memory_space<semaphore_mem>>) src(%dma_wait3A_1301 : memref<1000000x128xf32, #tpu.memory_space<hbm>>) dst(%dma_wait3A_1297 : memref<64x128xf32, #tpu.memory_space<vmem>>)
      %mul3A_1302 = arith.constant 64 : i32
      %mul3A_1303 = arith.muli %add3A_1257, %mul3A_1302 : i32
      %add3A_1304 = arith.addi %mul3A_2, %mul3A_1303 : i32
      %dma_start3A_1305 = arith.constant 7 : i32
      %dma_start3A_1306 = arith.constant 0 : i32
      %dma_start3A_1307 = arith.constant 0 : i32
      %dma_start3A_1308 = tpu.memref_slice %arg6[%dma_start3A_1305, %dma_start3A_1306, %dma_start3A_1307] : memref<8x64x128xf32, #tpu.memory_space<vmem>> -> memref<1x64x128xf32, #tpu.memory_space<vmem>>
      %dma_start3A_1309 = tpu.memref_squeeze %dma_start3A_1308 : memref<1x64x128xf32, #tpu.memory_space<vmem>> -> memref<64x128xf32, #tpu.memory_space<vmem>>
      %dma_start3A_1310 = arith.constant 0 : i32
      %dma_start3A_1311 = tpu.memref_slice %arg4[%add3A_1304, %dma_start3A_1310] : memref<819200x128xf32, #tpu.memory_space<hbm>> -> memref<64x128xf32, #tpu.memory_space<hbm>>
      %dma_start3A_1312 = arith.constant 0 : i32
      %dma_start3A_1313 = tpu.memref_slice %arg4[%add3A_1304, %dma_start3A_1312] : memref<819200x128xf32, #tpu.memory_space<hbm>> -> memref<64x128xf32, #tpu.memory_space<hbm>>
      %dma_start3A_1314 = arith.constant 0 : i32
      %dma_start3A_1315 = arith.constant 0 : i32
      %dma_start3A_1316 = tpu.memref_slice %arg6[%dma_start3A_1305, %dma_start3A_1314, %dma_start3A_1315] : memref<8x64x128xf32, #tpu.memory_space<vmem>> -> memref<1x64x128xf32, #tpu.memory_space<vmem>>
      %dma_start3A_1317 = tpu.memref_squeeze %dma_start3A_1316 : memref<1x64x128xf32, #tpu.memory_space<vmem>> -> memref<64x128xf32, #tpu.memory_space<vmem>>
      tpu.enqueue_dma source(%dma_start3A_1317 : memref<64x128xf32, #tpu.memory_space<vmem>>) target(%dma_start3A_1313 : memref<64x128xf32, #tpu.memory_space<hbm>>) target_semaphore(%arg22 : memref<!tpu.dma_semaphore, #tpu.memory_space<semaphore_mem>>)
    }
    %scan3A_385 = arith.constant 48 : i32
    %add3A_386 = arith.constant 24832 : i32
    %add3A_387 = arith.addi %mul3A_2, %add3A_386 : i32
    %dma_wait3A_388 = arith.constant 4 : i32
    %dma_wait3A_389 = arith.constant 0 : i32
    %dma_wait3A_390 = arith.constant 0 : i32
    %dma_wait3A_391 = tpu.memref_slice %arg6[%dma_wait3A_388, %dma_wait3A_389, %dma_wait3A_390] : memref<8x64x128xf32, #tpu.memory_space<vmem>> -> memref<1x64x128xf32, #tpu.memory_space<vmem>>
    %dma_wait3A_392 = tpu.memref_squeeze %dma_wait3A_391 : memref<1x64x128xf32, #tpu.memory_space<vmem>> -> memref<64x128xf32, #tpu.memory_space<vmem>>
    %dma_wait3A_393 = arith.constant 0 : i32
    %dma_wait3A_394 = tpu.memref_slice %arg4[%add3A_387, %dma_wait3A_393] : memref<819200x128xf32, #tpu.memory_space<hbm>> -> memref<64x128xf32, #tpu.memory_space<hbm>>
    %dma_wait3A_395 = arith.constant 0 : i32
    %dma_wait3A_396 = tpu.memref_slice %arg4[%add3A_387, %dma_wait3A_395] : memref<819200x128xf32, #tpu.memory_space<hbm>> -> memref<64x128xf32, #tpu.memory_space<hbm>>
    %dma_wait3A_397 = arith.constant 0 : i32
    %dma_wait3A_398 = arith.constant 0 : i32
    %dma_wait3A_399 = tpu.memref_slice %arg6[%dma_wait3A_388, %dma_wait3A_397, %dma_wait3A_398] : memref<8x64x128xf32, #tpu.memory_space<vmem>> -> memref<1x64x128xf32, #tpu.memory_space<vmem>>
    %dma_wait3A_400 = tpu.memref_squeeze %dma_wait3A_399 : memref<1x64x128xf32, #tpu.memory_space<vmem>> -> memref<64x128xf32, #tpu.memory_space<vmem>>
    tpu.wait_dma2 semaphore(%arg19 : memref<!tpu.dma_semaphore, #tpu.memory_space<semaphore_mem>>) src(%dma_wait3A_400 : memref<64x128xf32, #tpu.memory_space<vmem>>) dst(%dma_wait3A_396 : memref<64x128xf32, #tpu.memory_space<hbm>>)
    %dma_start3A_401 = arith.constant 4 : i32
    %dma_start3A_402 = arith.constant 0 : i32
    %dma_start3A_403 = arith.constant 0 : i32
    %dma_start3A_404 = tpu.memref_slice %arg6[%dma_start3A_401, %dma_start3A_402, %dma_start3A_403] : memref<8x64x128xf32, #tpu.memory_space<vmem>> -> memref<1x64x128xf32, #tpu.memory_space<vmem>>
    %dma_start3A_405 = tpu.memref_squeeze %dma_start3A_404 : memref<1x64x128xf32, #tpu.memory_space<vmem>> -> memref<64x128xf32, #tpu.memory_space<vmem>>
    %dma_start3A_406 = arith.constant 25344 : i32
    %dma_start3A_407 = tpu.memref_slice %arg5[%dma_start3A_406] : memref<25600xi32, #tpu.memory_space<vmem>> -> memref<64xi32, #tpu.memory_space<vmem>>
    %dma_start3A_408 = arith.constant 0 : i32
    %dma_start3A_409 = arith.constant 0 : i32
    %dma_start3A_410 = tpu.memref_slice %arg2[%dma_start3A_408, %dma_start3A_409] : memref<1000000x128xf32, #tpu.memory_space<hbm>> -> memref<1000000x128xf32, #tpu.memory_space<hbm>>
    tpu.enqueue_indirect_dma source(%dma_start3A_410 : memref<1000000x128xf32, #tpu.memory_space<hbm>>) target(%dma_start3A_405 : memref<64x128xf32, #tpu.memory_space<vmem>>) offsets(%dma_start3A_407 : memref<64xi32, #tpu.memory_space<vmem>>) semaphore(%arg11 : memref<!tpu.dma_semaphore, #tpu.memory_space<semaphore_mem>>)
    %dma_wait3A_411 = arith.constant 0 : i32
    %dma_wait3A_412 = arith.constant 0 : i32
    %dma_wait3A_413 = arith.constant 0 : i32
    %dma_wait3A_414 = tpu.memref_slice %arg6[%dma_wait3A_411, %dma_wait3A_412, %dma_wait3A_413] : memref<8x64x128xf32, #tpu.memory_space<vmem>> -> memref<1x64x128xf32, #tpu.memory_space<vmem>>
    %dma_wait3A_415 = tpu.memref_squeeze %dma_wait3A_414 : memref<1x64x128xf32, #tpu.memory_space<vmem>> -> memref<64x128xf32, #tpu.memory_space<vmem>>
    %dma_wait3A_416 = arith.constant 25088 : i32
    %dma_wait3A_417 = tpu.memref_slice %arg5[%dma_wait3A_416] : memref<25600xi32, #tpu.memory_space<vmem>> -> memref<64xi32, #tpu.memory_space<vmem>>
    %dma_wait3A_418 = arith.constant 0 : i32
    %dma_wait3A_419 = arith.constant 0 : i32
    %dma_wait3A_420 = tpu.memref_slice %arg2[%dma_wait3A_418, %dma_wait3A_419] : memref<1000000x128xf32, #tpu.memory_space<hbm>> -> memref<1000000x128xf32, #tpu.memory_space<hbm>>
    tpu.wait_indirect_dma semaphore(%arg7 : memref<!tpu.dma_semaphore, #tpu.memory_space<semaphore_mem>>) src(%dma_wait3A_420 : memref<1000000x128xf32, #tpu.memory_space<hbm>>) dst(%dma_wait3A_415 : memref<64x128xf32, #tpu.memory_space<vmem>>)
    %add3A_421 = arith.constant 25088 : i32
    %add3A_422 = arith.addi %mul3A_2, %add3A_421 : i32
    %dma_start3A_423 = arith.constant 0 : i32
    %dma_start3A_424 = arith.constant 0 : i32
    %dma_start3A_425 = arith.constant 0 : i32
    %dma_start3A_426 = tpu.memref_slice %arg6[%dma_start3A_423, %dma_start3A_424, %dma_start3A_425] : memref<8x64x128xf32, #tpu.memory_space<vmem>> -> memref<1x64x128xf32, #tpu.memory_space<vmem>>
    %dma_start3A_427 = tpu.memref_squeeze %dma_start3A_426 : memref<1x64x128xf32, #tpu.memory_space<vmem>> -> memref<64x128xf32, #tpu.memory_space<vmem>>
    %dma_start3A_428 = arith.constant 0 : i32
    %dma_start3A_429 = tpu.memref_slice %arg4[%add3A_422, %dma_start3A_428] : memref<819200x128xf32, #tpu.memory_space<hbm>> -> memref<64x128xf32, #tpu.memory_space<hbm>>
    %dma_start3A_430 = arith.constant 0 : i32
    %dma_start3A_431 = tpu.memref_slice %arg4[%add3A_422, %dma_start3A_430] : memref<819200x128xf32, #tpu.memory_space<hbm>> -> memref<64x128xf32, #tpu.memory_space<hbm>>
    %dma_start3A_432 = arith.constant 0 : i32
    %dma_start3A_433 = arith.constant 0 : i32
    %dma_start3A_434 = tpu.memref_slice %arg6[%dma_start3A_423, %dma_start3A_432, %dma_start3A_433] : memref<8x64x128xf32, #tpu.memory_space<vmem>> -> memref<1x64x128xf32, #tpu.memory_space<vmem>>
    %dma_start3A_435 = tpu.memref_squeeze %dma_start3A_434 : memref<1x64x128xf32, #tpu.memory_space<vmem>> -> memref<64x128xf32, #tpu.memory_space<vmem>>
    tpu.enqueue_dma source(%dma_start3A_435 : memref<64x128xf32, #tpu.memory_space<vmem>>) target(%dma_start3A_431 : memref<64x128xf32, #tpu.memory_space<hbm>>) target_semaphore(%arg15 : memref<!tpu.dma_semaphore, #tpu.memory_space<semaphore_mem>>)
    %add3A_436 = arith.constant 24896 : i32
    %add3A_437 = arith.addi %mul3A_2, %add3A_436 : i32
    %dma_wait3A_438 = arith.constant 5 : i32
    %dma_wait3A_439 = arith.constant 0 : i32
    %dma_wait3A_440 = arith.constant 0 : i32
    %dma_wait3A_441 = tpu.memref_slice %arg6[%dma_wait3A_438, %dma_wait3A_439, %dma_wait3A_440] : memref<8x64x128xf32, #tpu.memory_space<vmem>> -> memref<1x64x128xf32, #tpu.memory_space<vmem>>
    %dma_wait3A_442 = tpu.memref_squeeze %dma_wait3A_441 : memref<1x64x128xf32, #tpu.memory_space<vmem>> -> memref<64x128xf32, #tpu.memory_space<vmem>>
    %dma_wait3A_443 = arith.constant 0 : i32
    %dma_wait3A_444 = tpu.memref_slice %arg4[%add3A_437, %dma_wait3A_443] : memref<819200x128xf32, #tpu.memory_space<hbm>> -> memref<64x128xf32, #tpu.memory_space<hbm>>
    %dma_wait3A_445 = arith.constant 0 : i32
    %dma_wait3A_446 = tpu.memref_slice %arg4[%add3A_437, %dma_wait3A_445] : memref<819200x128xf32, #tpu.memory_space<hbm>> -> memref<64x128xf32, #tpu.memory_space<hbm>>
    %dma_wait3A_447 = arith.constant 0 : i32
    %dma_wait3A_448 = arith.constant 0 : i32
    %dma_wait3A_449 = tpu.memref_slice %arg6[%dma_wait3A_438, %dma_wait3A_447, %dma_wait3A_448] : memref<8x64x128xf32, #tpu.memory_space<vmem>> -> memref<1x64x128xf32, #tpu.memory_space<vmem>>
    %dma_wait3A_450 = tpu.memref_squeeze %dma_wait3A_449 : memref<1x64x128xf32, #tpu.memory_space<vmem>> -> memref<64x128xf32, #tpu.memory_space<vmem>>
    tpu.wait_dma2 semaphore(%arg20 : memref<!tpu.dma_semaphore, #tpu.memory_space<semaphore_mem>>) src(%dma_wait3A_450 : memref<64x128xf32, #tpu.memory_space<vmem>>) dst(%dma_wait3A_446 : memref<64x128xf32, #tpu.memory_space<hbm>>)
    %dma_start3A_451 = arith.constant 5 : i32
    %dma_start3A_452 = arith.constant 0 : i32
    %dma_start3A_453 = arith.constant 0 : i32
    %dma_start3A_454 = tpu.memref_slice %arg6[%dma_start3A_451, %dma_start3A_452, %dma_start3A_453] : memref<8x64x128xf32, #tpu.memory_space<vmem>> -> memref<1x64x128xf32, #tpu.memory_space<vmem>>
    %dma_start3A_455 = tpu.memref_squeeze %dma_start3A_454 : memref<1x64x128xf32, #tpu.memory_space<vmem>> -> memref<64x128xf32, #tpu.memory_space<vmem>>
    %dma_start3A_456 = arith.constant 25408 : i32
    %dma_start3A_457 = tpu.memref_slice %arg5[%dma_start3A_456] : memref<25600xi32, #tpu.memory_space<vmem>> -> memref<64xi32, #tpu.memory_space<vmem>>
    %dma_start3A_458 = arith.constant 0 : i32
    %dma_start3A_459 = arith.constant 0 : i32
    %dma_start3A_460 = tpu.memref_slice %arg2[%dma_start3A_458, %dma_start3A_459] : memref<1000000x128xf32, #tpu.memory_space<hbm>> -> memref<1000000x128xf32, #tpu.memory_space<hbm>>
    tpu.enqueue_indirect_dma source(%dma_start3A_460 : memref<1000000x128xf32, #tpu.memory_space<hbm>>) target(%dma_start3A_455 : memref<64x128xf32, #tpu.memory_space<vmem>>) offsets(%dma_start3A_457 : memref<64xi32, #tpu.memory_space<vmem>>) semaphore(%arg12 : memref<!tpu.dma_semaphore, #tpu.memory_space<semaphore_mem>>)
    %dma_wait3A_461 = arith.constant 1 : i32
    %dma_wait3A_462 = arith.constant 0 : i32
    %dma_wait3A_463 = arith.constant 0 : i32
    %dma_wait3A_464 = tpu.memref_slice %arg6[%dma_wait3A_461, %dma_wait3A_462, %dma_wait3A_463] : memref<8x64x128xf32, #tpu.memory_space<vmem>> -> memref<1x64x128xf32, #tpu.memory_space<vmem>>
    %dma_wait3A_465 = tpu.memref_squeeze %dma_wait3A_464 : memref<1x64x128xf32, #tpu.memory_space<vmem>> -> memref<64x128xf32, #tpu.memory_space<vmem>>
    %dma_wait3A_466 = arith.constant 25152 : i32
    %dma_wait3A_467 = tpu.memref_slice %arg5[%dma_wait3A_466] : memref<25600xi32, #tpu.memory_space<vmem>> -> memref<64xi32, #tpu.memory_space<vmem>>
    %dma_wait3A_468 = arith.constant 0 : i32
    %dma_wait3A_469 = arith.constant 0 : i32
    %dma_wait3A_470 = tpu.memref_slice %arg2[%dma_wait3A_468, %dma_wait3A_469] : memref<1000000x128xf32, #tpu.memory_space<hbm>> -> memref<1000000x128xf32, #tpu.memory_space<hbm>>
    tpu.wait_indirect_dma semaphore(%arg8 : memref<!tpu.dma_semaphore, #tpu.memory_space<semaphore_mem>>) src(%dma_wait3A_470 : memref<1000000x128xf32, #tpu.memory_space<hbm>>) dst(%dma_wait3A_465 : memref<64x128xf32, #tpu.memory_space<vmem>>)
    %add3A_471 = arith.constant 25152 : i32
    %add3A_472 = arith.addi %mul3A_2, %add3A_471 : i32
    %dma_start3A_473 = arith.constant 1 : i32
    %dma_start3A_474 = arith.constant 0 : i32
    %dma_start3A_475 = arith.constant 0 : i32
    %dma_start3A_476 = tpu.memref_slice %arg6[%dma_start3A_473, %dma_start3A_474, %dma_start3A_475] : memref<8x64x128xf32, #tpu.memory_space<vmem>> -> memref<1x64x128xf32, #tpu.memory_space<vmem>>
    %dma_start3A_477 = tpu.memref_squeeze %dma_start3A_476 : memref<1x64x128xf32, #tpu.memory_space<vmem>> -> memref<64x128xf32, #tpu.memory_space<vmem>>
    %dma_start3A_478 = arith.constant 0 : i32
    %dma_start3A_479 = tpu.memref_slice %arg4[%add3A_472, %dma_start3A_478] : memref<819200x128xf32, #tpu.memory_space<hbm>> -> memref<64x128xf32, #tpu.memory_space<hbm>>
    %dma_start3A_480 = arith.constant 0 : i32
    %dma_start3A_481 = tpu.memref_slice %arg4[%add3A_472, %dma_start3A_480] : memref<819200x128xf32, #tpu.memory_space<hbm>> -> memref<64x128xf32, #tpu.memory_space<hbm>>
    %dma_start3A_482 = arith.constant 0 : i32
    %dma_start3A_483 = arith.constant 0 : i32
    %dma_start3A_484 = tpu.memref_slice %arg6[%dma_start3A_473, %dma_start3A_482, %dma_start3A_483] : memref<8x64x128xf32, #tpu.memory_space<vmem>> -> memref<1x64x128xf32, #tpu.memory_space<vmem>>
    %dma_start3A_485 = tpu.memref_squeeze %dma_start3A_484 : memref<1x64x128xf32, #tpu.memory_space<vmem>> -> memref<64x128xf32, #tpu.memory_space<vmem>>
    tpu.enqueue_dma source(%dma_start3A_485 : memref<64x128xf32, #tpu.memory_space<vmem>>) target(%dma_start3A_481 : memref<64x128xf32, #tpu.memory_space<hbm>>) target_semaphore(%arg16 : memref<!tpu.dma_semaphore, #tpu.memory_space<semaphore_mem>>)
    %add3A_486 = arith.constant 24960 : i32
    %add3A_487 = arith.addi %mul3A_2, %add3A_486 : i32
    %dma_wait3A_488 = arith.constant 6 : i32
    %dma_wait3A_489 = arith.constant 0 : i32
    %dma_wait3A_490 = arith.constant 0 : i32
    %dma_wait3A_491 = tpu.memref_slice %arg6[%dma_wait3A_488, %dma_wait3A_489, %dma_wait3A_490] : memref<8x64x128xf32, #tpu.memory_space<vmem>> -> memref<1x64x128xf32, #tpu.memory_space<vmem>>
    %dma_wait3A_492 = tpu.memref_squeeze %dma_wait3A_491 : memref<1x64x128xf32, #tpu.memory_space<vmem>> -> memref<64x128xf32, #tpu.memory_space<vmem>>
    %dma_wait3A_493 = arith.constant 0 : i32
    %dma_wait3A_494 = tpu.memref_slice %arg4[%add3A_487, %dma_wait3A_493] : memref<819200x128xf32, #tpu.memory_space<hbm>> -> memref<64x128xf32, #tpu.memory_space<hbm>>
    %dma_wait3A_495 = arith.constant 0 : i32
    %dma_wait3A_496 = tpu.memref_slice %arg4[%add3A_487, %dma_wait3A_495] : memref<819200x128xf32, #tpu.memory_space<hbm>> -> memref<64x128xf32, #tpu.memory_space<hbm>>
    %dma_wait3A_497 = arith.constant 0 : i32
    %dma_wait3A_498 = arith.constant 0 : i32
    %dma_wait3A_499 = tpu.memref_slice %arg6[%dma_wait3A_488, %dma_wait3A_497, %dma_wait3A_498] : memref<8x64x128xf32, #tpu.memory_space<vmem>> -> memref<1x64x128xf32, #tpu.memory_space<vmem>>
    %dma_wait3A_500 = tpu.memref_squeeze %dma_wait3A_499 : memref<1x64x128xf32, #tpu.memory_space<vmem>> -> memref<64x128xf32, #tpu.memory_space<vmem>>
    tpu.wait_dma2 semaphore(%arg21 : memref<!tpu.dma_semaphore, #tpu.memory_space<semaphore_mem>>) src(%dma_wait3A_500 : memref<64x128xf32, #tpu.memory_space<vmem>>) dst(%dma_wait3A_496 : memref<64x128xf32, #tpu.memory_space<hbm>>)
    %dma_start3A_501 = arith.constant 6 : i32
    %dma_start3A_502 = arith.constant 0 : i32
    %dma_start3A_503 = arith.constant 0 : i32
    %dma_start3A_504 = tpu.memref_slice %arg6[%dma_start3A_501, %dma_start3A_502, %dma_start3A_503] : memref<8x64x128xf32, #tpu.memory_space<vmem>> -> memref<1x64x128xf32, #tpu.memory_space<vmem>>
    %dma_start3A_505 = tpu.memref_squeeze %dma_start3A_504 : memref<1x64x128xf32, #tpu.memory_space<vmem>> -> memref<64x128xf32, #tpu.memory_space<vmem>>
    %dma_start3A_506 = arith.constant 25472 : i32
    %dma_start3A_507 = tpu.memref_slice %arg5[%dma_start3A_506] : memref<25600xi32, #tpu.memory_space<vmem>> -> memref<64xi32, #tpu.memory_space<vmem>>
    %dma_start3A_508 = arith.constant 0 : i32
    %dma_start3A_509 = arith.constant 0 : i32
    %dma_start3A_510 = tpu.memref_slice %arg2[%dma_start3A_508, %dma_start3A_509] : memref<1000000x128xf32, #tpu.memory_space<hbm>> -> memref<1000000x128xf32, #tpu.memory_space<hbm>>
    tpu.enqueue_indirect_dma source(%dma_start3A_510 : memref<1000000x128xf32, #tpu.memory_space<hbm>>) target(%dma_start3A_505 : memref<64x128xf32, #tpu.memory_space<vmem>>) offsets(%dma_start3A_507 : memref<64xi32, #tpu.memory_space<vmem>>) semaphore(%arg13 : memref<!tpu.dma_semaphore, #tpu.memory_space<semaphore_mem>>)
    %dma_wait3A_511 = arith.constant 2 : i32
    %dma_wait3A_512 = arith.constant 0 : i32
    %dma_wait3A_513 = arith.constant 0 : i32
    %dma_wait3A_514 = tpu.memref_slice %arg6[%dma_wait3A_511, %dma_wait3A_512, %dma_wait3A_513] : memref<8x64x128xf32, #tpu.memory_space<vmem>> -> memref<1x64x128xf32, #tpu.memory_space<vmem>>
    %dma_wait3A_515 = tpu.memref_squeeze %dma_wait3A_514 : memref<1x64x128xf32, #tpu.memory_space<vmem>> -> memref<64x128xf32, #tpu.memory_space<vmem>>
    %dma_wait3A_516 = arith.constant 25216 : i32
    %dma_wait3A_517 = tpu.memref_slice %arg5[%dma_wait3A_516] : memref<25600xi32, #tpu.memory_space<vmem>> -> memref<64xi32, #tpu.memory_space<vmem>>
    %dma_wait3A_518 = arith.constant 0 : i32
    %dma_wait3A_519 = arith.constant 0 : i32
    %dma_wait3A_520 = tpu.memref_slice %arg2[%dma_wait3A_518, %dma_wait3A_519] : memref<1000000x128xf32, #tpu.memory_space<hbm>> -> memref<1000000x128xf32, #tpu.memory_space<hbm>>
    tpu.wait_indirect_dma semaphore(%arg9 : memref<!tpu.dma_semaphore, #tpu.memory_space<semaphore_mem>>) src(%dma_wait3A_520 : memref<1000000x128xf32, #tpu.memory_space<hbm>>) dst(%dma_wait3A_515 : memref<64x128xf32, #tpu.memory_space<vmem>>)
    %add3A_521 = arith.constant 25216 : i32
    %add3A_522 = arith.addi %mul3A_2, %add3A_521 : i32
    %dma_start3A_523 = arith.constant 2 : i32
    %dma_start3A_524 = arith.constant 0 : i32
    %dma_start3A_525 = arith.constant 0 : i32
    %dma_start3A_526 = tpu.memref_slice %arg6[%dma_start3A_523, %dma_start3A_524, %dma_start3A_525] : memref<8x64x128xf32, #tpu.memory_space<vmem>> -> memref<1x64x128xf32, #tpu.memory_space<vmem>>
    %dma_start3A_527 = tpu.memref_squeeze %dma_start3A_526 : memref<1x64x128xf32, #tpu.memory_space<vmem>> -> memref<64x128xf32, #tpu.memory_space<vmem>>
    %dma_start3A_528 = arith.constant 0 : i32
    %dma_start3A_529 = tpu.memref_slice %arg4[%add3A_522, %dma_start3A_528] : memref<819200x128xf32, #tpu.memory_space<hbm>> -> memref<64x128xf32, #tpu.memory_space<hbm>>
    %dma_start3A_530 = arith.constant 0 : i32
    %dma_start3A_531 = tpu.memref_slice %arg4[%add3A_522, %dma_start3A_530] : memref<819200x128xf32, #tpu.memory_space<hbm>> -> memref<64x128xf32, #tpu.memory_space<hbm>>
    %dma_start3A_532 = arith.constant 0 : i32
    %dma_start3A_533 = arith.constant 0 : i32
    %dma_start3A_534 = tpu.memref_slice %arg6[%dma_start3A_523, %dma_start3A_532, %dma_start3A_533] : memref<8x64x128xf32, #tpu.memory_space<vmem>> -> memref<1x64x128xf32, #tpu.memory_space<vmem>>
    %dma_start3A_535 = tpu.memref_squeeze %dma_start3A_534 : memref<1x64x128xf32, #tpu.memory_space<vmem>> -> memref<64x128xf32, #tpu.memory_space<vmem>>
    tpu.enqueue_dma source(%dma_start3A_535 : memref<64x128xf32, #tpu.memory_space<vmem>>) target(%dma_start3A_531 : memref<64x128xf32, #tpu.memory_space<hbm>>) target_semaphore(%arg17 : memref<!tpu.dma_semaphore, #tpu.memory_space<semaphore_mem>>)
    %add3A_536 = arith.constant 25024 : i32
    %add3A_537 = arith.addi %mul3A_2, %add3A_536 : i32
    %dma_wait3A_538 = arith.constant 7 : i32
    %dma_wait3A_539 = arith.constant 0 : i32
    %dma_wait3A_540 = arith.constant 0 : i32
    %dma_wait3A_541 = tpu.memref_slice %arg6[%dma_wait3A_538, %dma_wait3A_539, %dma_wait3A_540] : memref<8x64x128xf32, #tpu.memory_space<vmem>> -> memref<1x64x128xf32, #tpu.memory_space<vmem>>
    %dma_wait3A_542 = tpu.memref_squeeze %dma_wait3A_541 : memref<1x64x128xf32, #tpu.memory_space<vmem>> -> memref<64x128xf32, #tpu.memory_space<vmem>>
    %dma_wait3A_543 = arith.constant 0 : i32
    %dma_wait3A_544 = tpu.memref_slice %arg4[%add3A_537, %dma_wait3A_543] : memref<819200x128xf32, #tpu.memory_space<hbm>> -> memref<64x128xf32, #tpu.memory_space<hbm>>
    %dma_wait3A_545 = arith.constant 0 : i32
    %dma_wait3A_546 = tpu.memref_slice %arg4[%add3A_537, %dma_wait3A_545] : memref<819200x128xf32, #tpu.memory_space<hbm>> -> memref<64x128xf32, #tpu.memory_space<hbm>>
    %dma_wait3A_547 = arith.constant 0 : i32
    %dma_wait3A_548 = arith.constant 0 : i32
    %dma_wait3A_549 = tpu.memref_slice %arg6[%dma_wait3A_538, %dma_wait3A_547, %dma_wait3A_548] : memref<8x64x128xf32, #tpu.memory_space<vmem>> -> memref<1x64x128xf32, #tpu.memory_space<vmem>>
    %dma_wait3A_550 = tpu.memref_squeeze %dma_wait3A_549 : memref<1x64x128xf32, #tpu.memory_space<vmem>> -> memref<64x128xf32, #tpu.memory_space<vmem>>
    tpu.wait_dma2 semaphore(%arg22 : memref<!tpu.dma_semaphore, #tpu.memory_space<semaphore_mem>>) src(%dma_wait3A_550 : memref<64x128xf32, #tpu.memory_space<vmem>>) dst(%dma_wait3A_546 : memref<64x128xf32, #tpu.memory_space<hbm>>)
    %dma_start3A_551 = arith.constant 7 : i32
    %dma_start3A_552 = arith.constant 0 : i32
    %dma_start3A_553 = arith.constant 0 : i32
    %dma_start3A_554 = tpu.memref_slice %arg6[%dma_start3A_551, %dma_start3A_552, %dma_start3A_553] : memref<8x64x128xf32, #tpu.memory_space<vmem>> -> memref<1x64x128xf32, #tpu.memory_space<vmem>>
    %dma_start3A_555 = tpu.memref_squeeze %dma_start3A_554 : memref<1x64x128xf32, #tpu.memory_space<vmem>> -> memref<64x128xf32, #tpu.memory_space<vmem>>
    %dma_start3A_556 = arith.constant 25536 : i32
    %dma_start3A_557 = tpu.memref_slice %arg5[%dma_start3A_556] : memref<25600xi32, #tpu.memory_space<vmem>> -> memref<64xi32, #tpu.memory_space<vmem>>
    %dma_start3A_558 = arith.constant 0 : i32
    %dma_start3A_559 = arith.constant 0 : i32
    %dma_start3A_560 = tpu.memref_slice %arg2[%dma_start3A_558, %dma_start3A_559] : memref<1000000x128xf32, #tpu.memory_space<hbm>> -> memref<1000000x128xf32, #tpu.memory_space<hbm>>
    tpu.enqueue_indirect_dma source(%dma_start3A_560 : memref<1000000x128xf32, #tpu.memory_space<hbm>>) target(%dma_start3A_555 : memref<64x128xf32, #tpu.memory_space<vmem>>) offsets(%dma_start3A_557 : memref<64xi32, #tpu.memory_space<vmem>>) semaphore(%arg14 : memref<!tpu.dma_semaphore, #tpu.memory_space<semaphore_mem>>)
    %dma_wait3A_561 = arith.constant 3 : i32
    %dma_wait3A_562 = arith.constant 0 : i32
    %dma_wait3A_563 = arith.constant 0 : i32
    %dma_wait3A_564 = tpu.memref_slice %arg6[%dma_wait3A_561, %dma_wait3A_562, %dma_wait3A_563] : memref<8x64x128xf32, #tpu.memory_space<vmem>> -> memref<1x64x128xf32, #tpu.memory_space<vmem>>
    %dma_wait3A_565 = tpu.memref_squeeze %dma_wait3A_564 : memref<1x64x128xf32, #tpu.memory_space<vmem>> -> memref<64x128xf32, #tpu.memory_space<vmem>>
    %dma_wait3A_566 = arith.constant 25280 : i32
    %dma_wait3A_567 = tpu.memref_slice %arg5[%dma_wait3A_566] : memref<25600xi32, #tpu.memory_space<vmem>> -> memref<64xi32, #tpu.memory_space<vmem>>
    %dma_wait3A_568 = arith.constant 0 : i32
    %dma_wait3A_569 = arith.constant 0 : i32
    %dma_wait3A_570 = tpu.memref_slice %arg2[%dma_wait3A_568, %dma_wait3A_569] : memref<1000000x128xf32, #tpu.memory_space<hbm>> -> memref<1000000x128xf32, #tpu.memory_space<hbm>>
    tpu.wait_indirect_dma semaphore(%arg10 : memref<!tpu.dma_semaphore, #tpu.memory_space<semaphore_mem>>) src(%dma_wait3A_570 : memref<1000000x128xf32, #tpu.memory_space<hbm>>) dst(%dma_wait3A_565 : memref<64x128xf32, #tpu.memory_space<vmem>>)
    %add3A_571 = arith.constant 25280 : i32
    %add3A_572 = arith.addi %mul3A_2, %add3A_571 : i32
    %dma_start3A_573 = arith.constant 3 : i32
    %dma_start3A_574 = arith.constant 0 : i32
    %dma_start3A_575 = arith.constant 0 : i32
    %dma_start3A_576 = tpu.memref_slice %arg6[%dma_start3A_573, %dma_start3A_574, %dma_start3A_575] : memref<8x64x128xf32, #tpu.memory_space<vmem>> -> memref<1x64x128xf32, #tpu.memory_space<vmem>>
    %dma_start3A_577 = tpu.memref_squeeze %dma_start3A_576 : memref<1x64x128xf32, #tpu.memory_space<vmem>> -> memref<64x128xf32, #tpu.memory_space<vmem>>
    %dma_start3A_578 = arith.constant 0 : i32
    %dma_start3A_579 = tpu.memref_slice %arg4[%add3A_572, %dma_start3A_578] : memref<819200x128xf32, #tpu.memory_space<hbm>> -> memref<64x128xf32, #tpu.memory_space<hbm>>
    %dma_start3A_580 = arith.constant 0 : i32
    %dma_start3A_581 = tpu.memref_slice %arg4[%add3A_572, %dma_start3A_580] : memref<819200x128xf32, #tpu.memory_space<hbm>> -> memref<64x128xf32, #tpu.memory_space<hbm>>
    %dma_start3A_582 = arith.constant 0 : i32
    %dma_start3A_583 = arith.constant 0 : i32
    %dma_start3A_584 = tpu.memref_slice %arg6[%dma_start3A_573, %dma_start3A_582, %dma_start3A_583] : memref<8x64x128xf32, #tpu.memory_space<vmem>> -> memref<1x64x128xf32, #tpu.memory_space<vmem>>
    %dma_start3A_585 = tpu.memref_squeeze %dma_start3A_584 : memref<1x64x128xf32, #tpu.memory_space<vmem>> -> memref<64x128xf32, #tpu.memory_space<vmem>>
    tpu.enqueue_dma source(%dma_start3A_585 : memref<64x128xf32, #tpu.memory_space<vmem>>) target(%dma_start3A_581 : memref<64x128xf32, #tpu.memory_space<hbm>>) target_semaphore(%arg18 : memref<!tpu.dma_semaphore, #tpu.memory_space<semaphore_mem>>)
    %dma_wait3A_586 = arith.constant 4 : i32
    %dma_wait3A_587 = arith.constant 0 : i32
    %dma_wait3A_588 = arith.constant 0 : i32
    %dma_wait3A_589 = tpu.memref_slice %arg6[%dma_wait3A_586, %dma_wait3A_587, %dma_wait3A_588] : memref<8x64x128xf32, #tpu.memory_space<vmem>> -> memref<1x64x128xf32, #tpu.memory_space<vmem>>
    %dma_wait3A_590 = tpu.memref_squeeze %dma_wait3A_589 : memref<1x64x128xf32, #tpu.memory_space<vmem>> -> memref<64x128xf32, #tpu.memory_space<vmem>>
    %dma_wait3A_591 = arith.constant 25344 : i32
    %dma_wait3A_592 = tpu.memref_slice %arg5[%dma_wait3A_591] : memref<25600xi32, #tpu.memory_space<vmem>> -> memref<64xi32, #tpu.memory_space<vmem>>
    %dma_wait3A_593 = arith.constant 0 : i32
    %dma_wait3A_594 = arith.constant 0 : i32
    %dma_wait3A_595 = tpu.memref_slice %arg2[%dma_wait3A_593, %dma_wait3A_594] : memref<1000000x128xf32, #tpu.memory_space<hbm>> -> memref<1000000x128xf32, #tpu.memory_space<hbm>>
    tpu.wait_indirect_dma semaphore(%arg11 : memref<!tpu.dma_semaphore, #tpu.memory_space<semaphore_mem>>) src(%dma_wait3A_595 : memref<1000000x128xf32, #tpu.memory_space<hbm>>) dst(%dma_wait3A_590 : memref<64x128xf32, #tpu.memory_space<vmem>>)
    %add3A_596 = arith.constant 25344 : i32
    %add3A_597 = arith.addi %mul3A_2, %add3A_596 : i32
    %dma_start3A_598 = arith.constant 4 : i32
    %dma_start3A_599 = arith.constant 0 : i32
    %dma_start3A_600 = arith.constant 0 : i32
    %dma_start3A_601 = tpu.memref_slice %arg6[%dma_start3A_598, %dma_start3A_599, %dma_start3A_600] : memref<8x64x128xf32, #tpu.memory_space<vmem>> -> memref<1x64x128xf32, #tpu.memory_space<vmem>>
    %dma_start3A_602 = tpu.memref_squeeze %dma_start3A_601 : memref<1x64x128xf32, #tpu.memory_space<vmem>> -> memref<64x128xf32, #tpu.memory_space<vmem>>
    %dma_start3A_603 = arith.constant 0 : i32
    %dma_start3A_604 = tpu.memref_slice %arg4[%add3A_597, %dma_start3A_603] : memref<819200x128xf32, #tpu.memory_space<hbm>> -> memref<64x128xf32, #tpu.memory_space<hbm>>
    %dma_start3A_605 = arith.constant 0 : i32
    %dma_start3A_606 = tpu.memref_slice %arg4[%add3A_597, %dma_start3A_605] : memref<819200x128xf32, #tpu.memory_space<hbm>> -> memref<64x128xf32, #tpu.memory_space<hbm>>
    %dma_start3A_607 = arith.constant 0 : i32
    %dma_start3A_608 = arith.constant 0 : i32
    %dma_start3A_609 = tpu.memref_slice %arg6[%dma_start3A_598, %dma_start3A_607, %dma_start3A_608] : memref<8x64x128xf32, #tpu.memory_space<vmem>> -> memref<1x64x128xf32, #tpu.memory_space<vmem>>
    %dma_start3A_610 = tpu.memref_squeeze %dma_start3A_609 : memref<1x64x128xf32, #tpu.memory_space<vmem>> -> memref<64x128xf32, #tpu.memory_space<vmem>>
    tpu.enqueue_dma source(%dma_start3A_610 : memref<64x128xf32, #tpu.memory_space<vmem>>) target(%dma_start3A_606 : memref<64x128xf32, #tpu.memory_space<hbm>>) target_semaphore(%arg19 : memref<!tpu.dma_semaphore, #tpu.memory_space<semaphore_mem>>)
    %dma_wait3A_611 = arith.constant 5 : i32
    %dma_wait3A_612 = arith.constant 0 : i32
    %dma_wait3A_613 = arith.constant 0 : i32
    %dma_wait3A_614 = tpu.memref_slice %arg6[%dma_wait3A_611, %dma_wait3A_612, %dma_wait3A_613] : memref<8x64x128xf32, #tpu.memory_space<vmem>> -> memref<1x64x128xf32, #tpu.memory_space<vmem>>
    %dma_wait3A_615 = tpu.memref_squeeze %dma_wait3A_614 : memref<1x64x128xf32, #tpu.memory_space<vmem>> -> memref<64x128xf32, #tpu.memory_space<vmem>>
    %dma_wait3A_616 = arith.constant 25408 : i32
    %dma_wait3A_617 = tpu.memref_slice %arg5[%dma_wait3A_616] : memref<25600xi32, #tpu.memory_space<vmem>> -> memref<64xi32, #tpu.memory_space<vmem>>
    %dma_wait3A_618 = arith.constant 0 : i32
    %dma_wait3A_619 = arith.constant 0 : i32
    %dma_wait3A_620 = tpu.memref_slice %arg2[%dma_wait3A_618, %dma_wait3A_619] : memref<1000000x128xf32, #tpu.memory_space<hbm>> -> memref<1000000x128xf32, #tpu.memory_space<hbm>>
    tpu.wait_indirect_dma semaphore(%arg12 : memref<!tpu.dma_semaphore, #tpu.memory_space<semaphore_mem>>) src(%dma_wait3A_620 : memref<1000000x128xf32, #tpu.memory_space<hbm>>) dst(%dma_wait3A_615 : memref<64x128xf32, #tpu.memory_space<vmem>>)
    %add3A_621 = arith.constant 25408 : i32
    %add3A_622 = arith.addi %mul3A_2, %add3A_621 : i32
    %dma_start3A_623 = arith.constant 5 : i32
    %dma_start3A_624 = arith.constant 0 : i32
    %dma_start3A_625 = arith.constant 0 : i32
    %dma_start3A_626 = tpu.memref_slice %arg6[%dma_start3A_623, %dma_start3A_624, %dma_start3A_625] : memref<8x64x128xf32, #tpu.memory_space<vmem>> -> memref<1x64x128xf32, #tpu.memory_space<vmem>>
    %dma_start3A_627 = tpu.memref_squeeze %dma_start3A_626 : memref<1x64x128xf32, #tpu.memory_space<vmem>> -> memref<64x128xf32, #tpu.memory_space<vmem>>
    %dma_start3A_628 = arith.constant 0 : i32
    %dma_start3A_629 = tpu.memref_slice %arg4[%add3A_622, %dma_start3A_628] : memref<819200x128xf32, #tpu.memory_space<hbm>> -> memref<64x128xf32, #tpu.memory_space<hbm>>
    %dma_start3A_630 = arith.constant 0 : i32
    %dma_start3A_631 = tpu.memref_slice %arg4[%add3A_622, %dma_start3A_630] : memref<819200x128xf32, #tpu.memory_space<hbm>> -> memref<64x128xf32, #tpu.memory_space<hbm>>
    %dma_start3A_632 = arith.constant 0 : i32
    %dma_start3A_633 = arith.constant 0 : i32
    %dma_start3A_634 = tpu.memref_slice %arg6[%dma_start3A_623, %dma_start3A_632, %dma_start3A_633] : memref<8x64x128xf32, #tpu.memory_space<vmem>> -> memref<1x64x128xf32, #tpu.memory_space<vmem>>
    %dma_start3A_635 = tpu.memref_squeeze %dma_start3A_634 : memref<1x64x128xf32, #tpu.memory_space<vmem>> -> memref<64x128xf32, #tpu.memory_space<vmem>>
    tpu.enqueue_dma source(%dma_start3A_635 : memref<64x128xf32, #tpu.memory_space<vmem>>) target(%dma_start3A_631 : memref<64x128xf32, #tpu.memory_space<hbm>>) target_semaphore(%arg20 : memref<!tpu.dma_semaphore, #tpu.memory_space<semaphore_mem>>)
    %dma_wait3A_636 = arith.constant 6 : i32
    %dma_wait3A_637 = arith.constant 0 : i32
    %dma_wait3A_638 = arith.constant 0 : i32
    %dma_wait3A_639 = tpu.memref_slice %arg6[%dma_wait3A_636, %dma_wait3A_637, %dma_wait3A_638] : memref<8x64x128xf32, #tpu.memory_space<vmem>> -> memref<1x64x128xf32, #tpu.memory_space<vmem>>
    %dma_wait3A_640 = tpu.memref_squeeze %dma_wait3A_639 : memref<1x64x128xf32, #tpu.memory_space<vmem>> -> memref<64x128xf32, #tpu.memory_space<vmem>>
    %dma_wait3A_641 = arith.constant 25472 : i32
    %dma_wait3A_642 = tpu.memref_slice %arg5[%dma_wait3A_641] : memref<25600xi32, #tpu.memory_space<vmem>> -> memref<64xi32, #tpu.memory_space<vmem>>
    %dma_wait3A_643 = arith.constant 0 : i32
    %dma_wait3A_644 = arith.constant 0 : i32
    %dma_wait3A_645 = tpu.memref_slice %arg2[%dma_wait3A_643, %dma_wait3A_644] : memref<1000000x128xf32, #tpu.memory_space<hbm>> -> memref<1000000x128xf32, #tpu.memory_space<hbm>>
    tpu.wait_indirect_dma semaphore(%arg13 : memref<!tpu.dma_semaphore, #tpu.memory_space<semaphore_mem>>) src(%dma_wait3A_645 : memref<1000000x128xf32, #tpu.memory_space<hbm>>) dst(%dma_wait3A_640 : memref<64x128xf32, #tpu.memory_space<vmem>>)
    %add3A_646 = arith.constant 25472 : i32
    %add3A_647 = arith.addi %mul3A_2, %add3A_646 : i32
    %dma_start3A_648 = arith.constant 6 : i32
    %dma_start3A_649 = arith.constant 0 : i32
    %dma_start3A_650 = arith.constant 0 : i32
    %dma_start3A_651 = tpu.memref_slice %arg6[%dma_start3A_648, %dma_start3A_649, %dma_start3A_650] : memref<8x64x128xf32, #tpu.memory_space<vmem>> -> memref<1x64x128xf32, #tpu.memory_space<vmem>>
    %dma_start3A_652 = tpu.memref_squeeze %dma_start3A_651 : memref<1x64x128xf32, #tpu.memory_space<vmem>> -> memref<64x128xf32, #tpu.memory_space<vmem>>
    %dma_start3A_653 = arith.constant 0 : i32
    %dma_start3A_654 = tpu.memref_slice %arg4[%add3A_647, %dma_start3A_653] : memref<819200x128xf32, #tpu.memory_space<hbm>> -> memref<64x128xf32, #tpu.memory_space<hbm>>
    %dma_start3A_655 = arith.constant 0 : i32
    %dma_start3A_656 = tpu.memref_slice %arg4[%add3A_647, %dma_start3A_655] : memref<819200x128xf32, #tpu.memory_space<hbm>> -> memref<64x128xf32, #tpu.memory_space<hbm>>
    %dma_start3A_657 = arith.constant 0 : i32
    %dma_start3A_658 = arith.constant 0 : i32
    %dma_start3A_659 = tpu.memref_slice %arg6[%dma_start3A_648, %dma_start3A_657, %dma_start3A_658] : memref<8x64x128xf32, #tpu.memory_space<vmem>> -> memref<1x64x128xf32, #tpu.memory_space<vmem>>
    %dma_start3A_660 = tpu.memref_squeeze %dma_start3A_659 : memref<1x64x128xf32, #tpu.memory_space<vmem>> -> memref<64x128xf32, #tpu.memory_space<vmem>>
    tpu.enqueue_dma source(%dma_start3A_660 : memref<64x128xf32, #tpu.memory_space<vmem>>) target(%dma_start3A_656 : memref<64x128xf32, #tpu.memory_space<hbm>>) target_semaphore(%arg21 : memref<!tpu.dma_semaphore, #tpu.memory_space<semaphore_mem>>)
    %dma_wait3A_661 = arith.constant 7 : i32
    %dma_wait3A_662 = arith.constant 0 : i32
    %dma_wait3A_663 = arith.constant 0 : i32
    %dma_wait3A_664 = tpu.memref_slice %arg6[%dma_wait3A_661, %dma_wait3A_662, %dma_wait3A_663] : memref<8x64x128xf32, #tpu.memory_space<vmem>> -> memref<1x64x128xf32, #tpu.memory_space<vmem>>
    %dma_wait3A_665 = tpu.memref_squeeze %dma_wait3A_664 : memref<1x64x128xf32, #tpu.memory_space<vmem>> -> memref<64x128xf32, #tpu.memory_space<vmem>>
    %dma_wait3A_666 = arith.constant 25536 : i32
    %dma_wait3A_667 = tpu.memref_slice %arg5[%dma_wait3A_666] : memref<25600xi32, #tpu.memory_space<vmem>> -> memref<64xi32, #tpu.memory_space<vmem>>
    %dma_wait3A_668 = arith.constant 0 : i32
    %dma_wait3A_669 = arith.constant 0 : i32
    %dma_wait3A_670 = tpu.memref_slice %arg2[%dma_wait3A_668, %dma_wait3A_669] : memref<1000000x128xf32, #tpu.memory_space<hbm>> -> memref<1000000x128xf32, #tpu.memory_space<hbm>>
    tpu.wait_indirect_dma semaphore(%arg14 : memref<!tpu.dma_semaphore, #tpu.memory_space<semaphore_mem>>) src(%dma_wait3A_670 : memref<1000000x128xf32, #tpu.memory_space<hbm>>) dst(%dma_wait3A_665 : memref<64x128xf32, #tpu.memory_space<vmem>>)
    %add3A_671 = arith.constant 25536 : i32
    %add3A_672 = arith.addi %mul3A_2, %add3A_671 : i32
    %dma_start3A_673 = arith.constant 7 : i32
    %dma_start3A_674 = arith.constant 0 : i32
    %dma_start3A_675 = arith.constant 0 : i32
    %dma_start3A_676 = tpu.memref_slice %arg6[%dma_start3A_673, %dma_start3A_674, %dma_start3A_675] : memref<8x64x128xf32, #tpu.memory_space<vmem>> -> memref<1x64x128xf32, #tpu.memory_space<vmem>>
    %dma_start3A_677 = tpu.memref_squeeze %dma_start3A_676 : memref<1x64x128xf32, #tpu.memory_space<vmem>> -> memref<64x128xf32, #tpu.memory_space<vmem>>
    %dma_start3A_678 = arith.constant 0 : i32
    %dma_start3A_679 = tpu.memref_slice %arg4[%add3A_672, %dma_start3A_678] : memref<819200x128xf32, #tpu.memory_space<hbm>> -> memref<64x128xf32, #tpu.memory_space<hbm>>
    %dma_start3A_680 = arith.constant 0 : i32
    %dma_start3A_681 = tpu.memref_slice %arg4[%add3A_672, %dma_start3A_680] : memref<819200x128xf32, #tpu.memory_space<hbm>> -> memref<64x128xf32, #tpu.memory_space<hbm>>
    %dma_start3A_682 = arith.constant 0 : i32
    %dma_start3A_683 = arith.constant 0 : i32
    %dma_start3A_684 = tpu.memref_slice %arg6[%dma_start3A_673, %dma_start3A_682, %dma_start3A_683] : memref<8x64x128xf32, #tpu.memory_space<vmem>> -> memref<1x64x128xf32, #tpu.memory_space<vmem>>
    %dma_start3A_685 = tpu.memref_squeeze %dma_start3A_684 : memref<1x64x128xf32, #tpu.memory_space<vmem>> -> memref<64x128xf32, #tpu.memory_space<vmem>>
    tpu.enqueue_dma source(%dma_start3A_685 : memref<64x128xf32, #tpu.memory_space<vmem>>) target(%dma_start3A_681 : memref<64x128xf32, #tpu.memory_space<hbm>>) target_semaphore(%arg22 : memref<!tpu.dma_semaphore, #tpu.memory_space<semaphore_mem>>)
    %add3A_686 = arith.constant 25088 : i32
    %add3A_687 = arith.addi %mul3A_2, %add3A_686 : i32
    %dma_wait3A_688 = arith.constant 0 : i32
    %dma_wait3A_689 = arith.constant 0 : i32
    %dma_wait3A_690 = arith.constant 0 : i32
    %dma_wait3A_691 = tpu.memref_slice %arg6[%dma_wait3A_688, %dma_wait3A_689, %dma_wait3A_690] : memref<8x64x128xf32, #tpu.memory_space<vmem>> -> memref<1x64x128xf32, #tpu.memory_space<vmem>>
    %dma_wait3A_692 = tpu.memref_squeeze %dma_wait3A_691 : memref<1x64x128xf32, #tpu.memory_space<vmem>> -> memref<64x128xf32, #tpu.memory_space<vmem>>
    %dma_wait3A_693 = arith.constant 0 : i32
    %dma_wait3A_694 = tpu.memref_slice %arg4[%add3A_687, %dma_wait3A_693] : memref<819200x128xf32, #tpu.memory_space<hbm>> -> memref<64x128xf32, #tpu.memory_space<hbm>>
    %dma_wait3A_695 = arith.constant 0 : i32
    %dma_wait3A_696 = tpu.memref_slice %arg4[%add3A_687, %dma_wait3A_695] : memref<819200x128xf32, #tpu.memory_space<hbm>> -> memref<64x128xf32, #tpu.memory_space<hbm>>
    %dma_wait3A_697 = arith.constant 0 : i32
    %dma_wait3A_698 = arith.constant 0 : i32
    %dma_wait3A_699 = tpu.memref_slice %arg6[%dma_wait3A_688, %dma_wait3A_697, %dma_wait3A_698] : memref<8x64x128xf32, #tpu.memory_space<vmem>> -> memref<1x64x128xf32, #tpu.memory_space<vmem>>
    %dma_wait3A_700 = tpu.memref_squeeze %dma_wait3A_699 : memref<1x64x128xf32, #tpu.memory_space<vmem>> -> memref<64x128xf32, #tpu.memory_space<vmem>>
    tpu.wait_dma2 semaphore(%arg15 : memref<!tpu.dma_semaphore, #tpu.memory_space<semaphore_mem>>) src(%dma_wait3A_700 : memref<64x128xf32, #tpu.memory_space<vmem>>) dst(%dma_wait3A_696 : memref<64x128xf32, #tpu.memory_space<hbm>>)
    %add3A_701 = arith.constant 25152 : i32
    %add3A_702 = arith.addi %mul3A_2, %add3A_701 : i32
    %dma_wait3A_703 = arith.constant 1 : i32
    %dma_wait3A_704 = arith.constant 0 : i32
    %dma_wait3A_705 = arith.constant 0 : i32
    %dma_wait3A_706 = tpu.memref_slice %arg6[%dma_wait3A_703, %dma_wait3A_704, %dma_wait3A_705] : memref<8x64x128xf32, #tpu.memory_space<vmem>> -> memref<1x64x128xf32, #tpu.memory_space<vmem>>
    %dma_wait3A_707 = tpu.memref_squeeze %dma_wait3A_706 : memref<1x64x128xf32, #tpu.memory_space<vmem>> -> memref<64x128xf32, #tpu.memory_space<vmem>>
    %dma_wait3A_708 = arith.constant 0 : i32
    %dma_wait3A_709 = tpu.memref_slice %arg4[%add3A_702, %dma_wait3A_708] : memref<819200x128xf32, #tpu.memory_space<hbm>> -> memref<64x128xf32, #tpu.memory_space<hbm>>
    %dma_wait3A_710 = arith.constant 0 : i32
    %dma_wait3A_711 = tpu.memref_slice %arg4[%add3A_702, %dma_wait3A_710] : memref<819200x128xf32, #tpu.memory_space<hbm>> -> memref<64x128xf32, #tpu.memory_space<hbm>>
    %dma_wait3A_712 = arith.constant 0 : i32
    %dma_wait3A_713 = arith.constant 0 : i32
    %dma_wait3A_714 = tpu.memref_slice %arg6[%dma_wait3A_703, %dma_wait3A_712, %dma_wait3A_713] : memref<8x64x128xf32, #tpu.memory_space<vmem>> -> memref<1x64x128xf32, #tpu.memory_space<vmem>>
    %dma_wait3A_715 = tpu.memref_squeeze %dma_wait3A_714 : memref<1x64x128xf32, #tpu.memory_space<vmem>> -> memref<64x128xf32, #tpu.memory_space<vmem>>
    tpu.wait_dma2 semaphore(%arg16 : memref<!tpu.dma_semaphore, #tpu.memory_space<semaphore_mem>>) src(%dma_wait3A_715 : memref<64x128xf32, #tpu.memory_space<vmem>>) dst(%dma_wait3A_711 : memref<64x128xf32, #tpu.memory_space<hbm>>)
    %add3A_716 = arith.constant 25216 : i32
    %add3A_717 = arith.addi %mul3A_2, %add3A_716 : i32
    %dma_wait3A_718 = arith.constant 2 : i32
    %dma_wait3A_719 = arith.constant 0 : i32
    %dma_wait3A_720 = arith.constant 0 : i32
    %dma_wait3A_721 = tpu.memref_slice %arg6[%dma_wait3A_718, %dma_wait3A_719, %dma_wait3A_720] : memref<8x64x128xf32, #tpu.memory_space<vmem>> -> memref<1x64x128xf32, #tpu.memory_space<vmem>>
    %dma_wait3A_722 = tpu.memref_squeeze %dma_wait3A_721 : memref<1x64x128xf32, #tpu.memory_space<vmem>> -> memref<64x128xf32, #tpu.memory_space<vmem>>
    %dma_wait3A_723 = arith.constant 0 : i32
    %dma_wait3A_724 = tpu.memref_slice %arg4[%add3A_717, %dma_wait3A_723] : memref<819200x128xf32, #tpu.memory_space<hbm>> -> memref<64x128xf32, #tpu.memory_space<hbm>>
    %dma_wait3A_725 = arith.constant 0 : i32
    %dma_wait3A_726 = tpu.memref_slice %arg4[%add3A_717, %dma_wait3A_725] : memref<819200x128xf32, #tpu.memory_space<hbm>> -> memref<64x128xf32, #tpu.memory_space<hbm>>
    %dma_wait3A_727 = arith.constant 0 : i32
    %dma_wait3A_728 = arith.constant 0 : i32
    %dma_wait3A_729 = tpu.memref_slice %arg6[%dma_wait3A_718, %dma_wait3A_727, %dma_wait3A_728] : memref<8x64x128xf32, #tpu.memory_space<vmem>> -> memref<1x64x128xf32, #tpu.memory_space<vmem>>
    %dma_wait3A_730 = tpu.memref_squeeze %dma_wait3A_729 : memref<1x64x128xf32, #tpu.memory_space<vmem>> -> memref<64x128xf32, #tpu.memory_space<vmem>>
    tpu.wait_dma2 semaphore(%arg17 : memref<!tpu.dma_semaphore, #tpu.memory_space<semaphore_mem>>) src(%dma_wait3A_730 : memref<64x128xf32, #tpu.memory_space<vmem>>) dst(%dma_wait3A_726 : memref<64x128xf32, #tpu.memory_space<hbm>>)
    %add3A_731 = arith.constant 25280 : i32
    %add3A_732 = arith.addi %mul3A_2, %add3A_731 : i32
    %dma_wait3A_733 = arith.constant 3 : i32
    %dma_wait3A_734 = arith.constant 0 : i32
    %dma_wait3A_735 = arith.constant 0 : i32
    %dma_wait3A_736 = tpu.memref_slice %arg6[%dma_wait3A_733, %dma_wait3A_734, %dma_wait3A_735] : memref<8x64x128xf32, #tpu.memory_space<vmem>> -> memref<1x64x128xf32, #tpu.memory_space<vmem>>
    %dma_wait3A_737 = tpu.memref_squeeze %dma_wait3A_736 : memref<1x64x128xf32, #tpu.memory_space<vmem>> -> memref<64x128xf32, #tpu.memory_space<vmem>>
    %dma_wait3A_738 = arith.constant 0 : i32
    %dma_wait3A_739 = tpu.memref_slice %arg4[%add3A_732, %dma_wait3A_738] : memref<819200x128xf32, #tpu.memory_space<hbm>> -> memref<64x128xf32, #tpu.memory_space<hbm>>
    %dma_wait3A_740 = arith.constant 0 : i32
    %dma_wait3A_741 = tpu.memref_slice %arg4[%add3A_732, %dma_wait3A_740] : memref<819200x128xf32, #tpu.memory_space<hbm>> -> memref<64x128xf32, #tpu.memory_space<hbm>>
    %dma_wait3A_742 = arith.constant 0 : i32
    %dma_wait3A_743 = arith.constant 0 : i32
    %dma_wait3A_744 = tpu.memref_slice %arg6[%dma_wait3A_733, %dma_wait3A_742, %dma_wait3A_743] : memref<8x64x128xf32, #tpu.memory_space<vmem>> -> memref<1x64x128xf32, #tpu.memory_space<vmem>>
    %dma_wait3A_745 = tpu.memref_squeeze %dma_wait3A_744 : memref<1x64x128xf32, #tpu.memory_space<vmem>> -> memref<64x128xf32, #tpu.memory_space<vmem>>
    tpu.wait_dma2 semaphore(%arg18 : memref<!tpu.dma_semaphore, #tpu.memory_space<semaphore_mem>>) src(%dma_wait3A_745 : memref<64x128xf32, #tpu.memory_space<vmem>>) dst(%dma_wait3A_741 : memref<64x128xf32, #tpu.memory_space<hbm>>)
    %add3A_746 = arith.constant 25344 : i32
    %add3A_747 = arith.addi %mul3A_2, %add3A_746 : i32
    %dma_wait3A_748 = arith.constant 4 : i32
    %dma_wait3A_749 = arith.constant 0 : i32
    %dma_wait3A_750 = arith.constant 0 : i32
    %dma_wait3A_751 = tpu.memref_slice %arg6[%dma_wait3A_748, %dma_wait3A_749, %dma_wait3A_750] : memref<8x64x128xf32, #tpu.memory_space<vmem>> -> memref<1x64x128xf32, #tpu.memory_space<vmem>>
    %dma_wait3A_752 = tpu.memref_squeeze %dma_wait3A_751 : memref<1x64x128xf32, #tpu.memory_space<vmem>> -> memref<64x128xf32, #tpu.memory_space<vmem>>
    %dma_wait3A_753 = arith.constant 0 : i32
    %dma_wait3A_754 = tpu.memref_slice %arg4[%add3A_747, %dma_wait3A_753] : memref<819200x128xf32, #tpu.memory_space<hbm>> -> memref<64x128xf32, #tpu.memory_space<hbm>>
    %dma_wait3A_755 = arith.constant 0 : i32
    %dma_wait3A_756 = tpu.memref_slice %arg4[%add3A_747, %dma_wait3A_755] : memref<819200x128xf32, #tpu.memory_space<hbm>> -> memref<64x128xf32, #tpu.memory_space<hbm>>
    %dma_wait3A_757 = arith.constant 0 : i32
    %dma_wait3A_758 = arith.constant 0 : i32
    %dma_wait3A_759 = tpu.memref_slice %arg6[%dma_wait3A_748, %dma_wait3A_757, %dma_wait3A_758] : memref<8x64x128xf32, #tpu.memory_space<vmem>> -> memref<1x64x128xf32, #tpu.memory_space<vmem>>
    %dma_wait3A_760 = tpu.memref_squeeze %dma_wait3A_759 : memref<1x64x128xf32, #tpu.memory_space<vmem>> -> memref<64x128xf32, #tpu.memory_space<vmem>>
    tpu.wait_dma2 semaphore(%arg19 : memref<!tpu.dma_semaphore, #tpu.memory_space<semaphore_mem>>) src(%dma_wait3A_760 : memref<64x128xf32, #tpu.memory_space<vmem>>) dst(%dma_wait3A_756 : memref<64x128xf32, #tpu.memory_space<hbm>>)
    %add3A_761 = arith.constant 25408 : i32
    %add3A_762 = arith.addi %mul3A_2, %add3A_761 : i32
    %dma_wait3A_763 = arith.constant 5 : i32
    %dma_wait3A_764 = arith.constant 0 : i32
    %dma_wait3A_765 = arith.constant 0 : i32
    %dma_wait3A_766 = tpu.memref_slice %arg6[%dma_wait3A_763, %dma_wait3A_764, %dma_wait3A_765] : memref<8x64x128xf32, #tpu.memory_space<vmem>> -> memref<1x64x128xf32, #tpu.memory_space<vmem>>
    %dma_wait3A_767 = tpu.memref_squeeze %dma_wait3A_766 : memref<1x64x128xf32, #tpu.memory_space<vmem>> -> memref<64x128xf32, #tpu.memory_space<vmem>>
    %dma_wait3A_768 = arith.constant 0 : i32
    %dma_wait3A_769 = tpu.memref_slice %arg4[%add3A_762, %dma_wait3A_768] : memref<819200x128xf32, #tpu.memory_space<hbm>> -> memref<64x128xf32, #tpu.memory_space<hbm>>
    %dma_wait3A_770 = arith.constant 0 : i32
    %dma_wait3A_771 = tpu.memref_slice %arg4[%add3A_762, %dma_wait3A_770] : memref<819200x128xf32, #tpu.memory_space<hbm>> -> memref<64x128xf32, #tpu.memory_space<hbm>>
    %dma_wait3A_772 = arith.constant 0 : i32
    %dma_wait3A_773 = arith.constant 0 : i32
    %dma_wait3A_774 = tpu.memref_slice %arg6[%dma_wait3A_763, %dma_wait3A_772, %dma_wait3A_773] : memref<8x64x128xf32, #tpu.memory_space<vmem>> -> memref<1x64x128xf32, #tpu.memory_space<vmem>>
    %dma_wait3A_775 = tpu.memref_squeeze %dma_wait3A_774 : memref<1x64x128xf32, #tpu.memory_space<vmem>> -> memref<64x128xf32, #tpu.memory_space<vmem>>
    tpu.wait_dma2 semaphore(%arg20 : memref<!tpu.dma_semaphore, #tpu.memory_space<semaphore_mem>>) src(%dma_wait3A_775 : memref<64x128xf32, #tpu.memory_space<vmem>>) dst(%dma_wait3A_771 : memref<64x128xf32, #tpu.memory_space<hbm>>)
    %add3A_776 = arith.constant 25472 : i32
    %add3A_777 = arith.addi %mul3A_2, %add3A_776 : i32
    %dma_wait3A_778 = arith.constant 6 : i32
    %dma_wait3A_779 = arith.constant 0 : i32
    %dma_wait3A_780 = arith.constant 0 : i32
    %dma_wait3A_781 = tpu.memref_slice %arg6[%dma_wait3A_778, %dma_wait3A_779, %dma_wait3A_780] : memref<8x64x128xf32, #tpu.memory_space<vmem>> -> memref<1x64x128xf32, #tpu.memory_space<vmem>>
    %dma_wait3A_782 = tpu.memref_squeeze %dma_wait3A_781 : memref<1x64x128xf32, #tpu.memory_space<vmem>> -> memref<64x128xf32, #tpu.memory_space<vmem>>
    %dma_wait3A_783 = arith.constant 0 : i32
    %dma_wait3A_784 = tpu.memref_slice %arg4[%add3A_777, %dma_wait3A_783] : memref<819200x128xf32, #tpu.memory_space<hbm>> -> memref<64x128xf32, #tpu.memory_space<hbm>>
    %dma_wait3A_785 = arith.constant 0 : i32
    %dma_wait3A_786 = tpu.memref_slice %arg4[%add3A_777, %dma_wait3A_785] : memref<819200x128xf32, #tpu.memory_space<hbm>> -> memref<64x128xf32, #tpu.memory_space<hbm>>
    %dma_wait3A_787 = arith.constant 0 : i32
    %dma_wait3A_788 = arith.constant 0 : i32
    %dma_wait3A_789 = tpu.memref_slice %arg6[%dma_wait3A_778, %dma_wait3A_787, %dma_wait3A_788] : memref<8x64x128xf32, #tpu.memory_space<vmem>> -> memref<1x64x128xf32, #tpu.memory_space<vmem>>
    %dma_wait3A_790 = tpu.memref_squeeze %dma_wait3A_789 : memref<1x64x128xf32, #tpu.memory_space<vmem>> -> memref<64x128xf32, #tpu.memory_space<vmem>>
    tpu.wait_dma2 semaphore(%arg21 : memref<!tpu.dma_semaphore, #tpu.memory_space<semaphore_mem>>) src(%dma_wait3A_790 : memref<64x128xf32, #tpu.memory_space<vmem>>) dst(%dma_wait3A_786 : memref<64x128xf32, #tpu.memory_space<hbm>>)
    %add3A_791 = arith.constant 25536 : i32
    %add3A_792 = arith.addi %mul3A_2, %add3A_791 : i32
    %dma_wait3A_793 = arith.constant 7 : i32
    %dma_wait3A_794 = arith.constant 0 : i32
    %dma_wait3A_795 = arith.constant 0 : i32
    %dma_wait3A_796 = tpu.memref_slice %arg6[%dma_wait3A_793, %dma_wait3A_794, %dma_wait3A_795] : memref<8x64x128xf32, #tpu.memory_space<vmem>> -> memref<1x64x128xf32, #tpu.memory_space<vmem>>
    %dma_wait3A_797 = tpu.memref_squeeze %dma_wait3A_796 : memref<1x64x128xf32, #tpu.memory_space<vmem>> -> memref<64x128xf32, #tpu.memory_space<vmem>>
    %dma_wait3A_798 = arith.constant 0 : i32
    %dma_wait3A_799 = tpu.memref_slice %arg4[%add3A_792, %dma_wait3A_798] : memref<819200x128xf32, #tpu.memory_space<hbm>> -> memref<64x128xf32, #tpu.memory_space<hbm>>
    %dma_wait3A_800 = arith.constant 0 : i32
    %dma_wait3A_801 = tpu.memref_slice %arg4[%add3A_792, %dma_wait3A_800] : memref<819200x128xf32, #tpu.memory_space<hbm>> -> memref<64x128xf32, #tpu.memory_space<hbm>>
    %dma_wait3A_802 = arith.constant 0 : i32
    %dma_wait3A_803 = arith.constant 0 : i32
    %dma_wait3A_804 = tpu.memref_slice %arg6[%dma_wait3A_793, %dma_wait3A_802, %dma_wait3A_803] : memref<8x64x128xf32, #tpu.memory_space<vmem>> -> memref<1x64x128xf32, #tpu.memory_space<vmem>>
    %dma_wait3A_805 = tpu.memref_squeeze %dma_wait3A_804 : memref<1x64x128xf32, #tpu.memory_space<vmem>> -> memref<64x128xf32, #tpu.memory_space<vmem>>
    tpu.wait_dma2 semaphore(%arg22 : memref<!tpu.dma_semaphore, #tpu.memory_space<semaphore_mem>>) src(%dma_wait3A_805 : memref<64x128xf32, #tpu.memory_space<vmem>>) dst(%dma_wait3A_801 : memref<64x128xf32, #tpu.memory_space<hbm>>)
    return
  }
}

module attributes {stable_mosaic.version = 14 : i64} {
  func.func @_proj_body_first(%arg0: i32, %arg1: memref<4000x128xf32, #tpu.memory_space<vmem>>, %arg2: memref<128x128xf32, #tpu.memory_space<vmem>>, %arg3: memref<4000x128xf32, #tpu.memory_space<vmem>>) attributes {dimension_semantics = [#tpu.dimension_semantics<arbitrary>], iteration_bounds = array<i64: 5>, scalar_prefetch = 0 : i64, scratch_operands = 0 : i64, tpu.core_type = #tpu.core_type<tc>, window_params = [{transform_indices = @transform_0, window_bounds = array<i64: 4000, 128>}, {transform_indices = @transform_1, window_bounds = array<i64: 128, 128>}, {transform_indices = @transform_2, window_bounds = array<i64: 4000, 128>}]} {
    %get3A = arith.constant 0 : index
    %get3A_0 = arith.constant 0 : index
    %get3A_1 = vector.load %arg1[%get3A, %get3A_0] : memref<4000x128xf32, #tpu.memory_space<vmem>>, vector<4000x128xf32>
    %get3A_2 = arith.constant 0 : index
    %get3A_3 = arith.constant 0 : index
    %get3A_4 = vector.load %arg2[%get3A_2, %get3A_3] : memref<128x128xf32, #tpu.memory_space<vmem>>, vector<128x128xf32>
    %dot_general3A = arith.constant dense<0.000000e+00> : vector<4000x128xf32>
    %dot_general3A_5 = tpu.matmul %get3A_1, %get3A_4, %dot_general3A {dimension_numbers = #tpu.dot_dimension_numbers<[1], [0], [0], [1], [0, 0, 1, 1], [], []>, transpose_lhs_hint = false} : vector<4000x128xf32>, vector<128x128xf32>, vector<4000x128xf32> -> vector<4000x128xf32>
    %mul3A = arith.constant 11.3137083 : f32
    %mul3A_6 = vector.broadcast %mul3A : f32 to vector<4000x128xf32>
    %mul3A_7 = arith.mulf %dot_general3A_5, %mul3A_6 : vector<4000x128xf32>
    %swap3A = arith.constant 0 : index
    %swap3A_8 = arith.constant 0 : index
    %swap3A_9 = vector.load %arg3[%swap3A, %swap3A_8] : memref<4000x128xf32, #tpu.memory_space<vmem>>, vector<4000x128xf32>
    tpu.vector_store %arg3[%swap3A, %swap3A_8], %mul3A_7 {strides = array<i32>} : memref<4000x128xf32, #tpu.memory_space<vmem>>, vector<4000x128xf32>,
    return
  }
  func.func @transform_0(%arg0: i32) -> (i32, i32) {
    %c0_i32 = arith.constant 0 : i32
    %c0_i32_0 = arith.constant 0 : i32
    return %arg0, %c0_i32 : i32, i32
  }
  func.func @transform_1(%arg0: i32) -> (i32, i32) {
    %c0_i32 = arith.constant 0 : i32
    %c0_i32_0 = arith.constant 0 : i32
    %c0_i32_1 = arith.constant 0 : i32
    return %c0_i32, %c0_i32_0 : i32, i32
  }
  func.func @transform_2(%arg0: i32) -> (i32, i32) {
    %c0_i32 = arith.constant 0 : i32
    %c0_i32_0 = arith.constant 0 : i32
    return %arg0, %c0_i32 : i32, i32
  }
}

module attributes {stable_mosaic.version = 14 : i64} {
  func.func @_proj_body(%arg0: i32, %arg1: memref<4000x128xf32, #tpu.memory_space<vmem>>, %arg2: memref<128x128xf32, #tpu.memory_space<vmem>>, %arg3: memref<1000000x128xf32, #tpu.memory_space<hbm>>, %arg4: memref<4000x128xf32, #tpu.memory_space<vmem>>) attributes {dimension_semantics = [#tpu.dimension_semantics<arbitrary>], iteration_bounds = array<i64: 0>, scalar_prefetch = 0 : i64, scratch_operands = 0 : i64, tpu.core_type = #tpu.core_type<tc>, window_params = [{transform_indices = @transform_0, window_bounds = array<i64: 4000, 128>}, {transform_indices = @transform_1, window_bounds = array<i64: 128, 128>}, {}, {transform_indices = @transform_3, window_bounds = array<i64: 4000, 128>}]} {
    %get3A = arith.constant 0 : index
    %get3A_0 = arith.constant 0 : index
    %get3A_1 = vector.load %arg1[%get3A, %get3A_0] : memref<4000x128xf32, #tpu.memory_space<vmem>>, vector<4000x128xf32>
    %get3A_2 = arith.constant 0 : index
    %get3A_3 = arith.constant 0 : index
    %get3A_4 = vector.load %arg2[%get3A_2, %get3A_3] : memref<128x128xf32, #tpu.memory_space<vmem>>, vector<128x128xf32>
    %dot_general3A = arith.constant dense<0.000000e+00> : vector<4000x128xf32>
    %dot_general3A_5 = tpu.matmul %get3A_1, %get3A_4, %dot_general3A {dimension_numbers = #tpu.dot_dimension_numbers<[1], [0], [0], [1], [0, 0, 1, 1], [], []>, transpose_lhs_hint = false} : vector<4000x128xf32>, vector<128x128xf32>, vector<4000x128xf32> -> vector<4000x128xf32>
    %mul3A = arith.constant 11.3137083 : f32
    %mul3A_6 = vector.broadcast %mul3A : f32 to vector<4000x128xf32>
    %mul3A_7 = arith.mulf %dot_general3A_5, %mul3A_6 : vector<4000x128xf32>
    %swap3A = arith.constant 0 : index
    %swap3A_8 = arith.constant 0 : index
    %swap3A_9 = vector.load %arg4[%swap3A, %swap3A_8] : memref<4000x128xf32, #tpu.memory_space<vmem>>, vector<4000x128xf32>
    tpu.vector_store %arg4[%swap3A, %swap3A_8], %mul3A_7 {strides = array<i32>} : memref<4000x128xf32, #tpu.memory_space<vmem>>, vector<4000x128xf32>,
    return
  }
  func.func @transform_0(%arg0: i32) -> (i32, i32) {
    %c0_i32 = arith.constant 0 : i32
    %c0_i32_0 = arith.constant 0 : i32
    return %arg0, %c0_i32 : i32, i32
  }
  func.func @transform_1(%arg0: i32) -> (i32, i32) {
    %c0_i32 = arith.constant 0 : i32
    %c0_i32_0 = arith.constant 0 : i32
    %c0_i32_1 = arith.constant 0 : i32
    return %c0_i32, %c0_i32_0 : i32, i32
  }
  func.func @transform_3(%arg0: i32) -> (i32, i32) {
    %add3A = arith.constant 5 : i32
    %add3A_0 = arith.addi %arg0, %add3A : i32
    %c0_i32 = arith.constant 0 : i32
    %c0_i32_1 = arith.constant 0 : i32
    return %add3A_0, %c0_i32 : i32, i32
  }
}

module attributes {stable_mosaic.version = 14 : i64} {
  func.func @_proj_body(%arg0: i32, %arg1: memref<4000x32xf32, #tpu.memory_space<vmem>>, %arg2: memref<32x128xf32, #tpu.memory_space<vmem>>, %arg3: memref<1000000x128xf32, #tpu.memory_space<hbm>>, %arg4: memref<4000x128xf32, #tpu.memory_space<vmem>>) attributes {dimension_semantics = [#tpu.dimension_semantics<arbitrary>], iteration_bounds = array<i64: 20>, scalar_prefetch = 0 : i64, scratch_operands = 0 : i64, tpu.core_type = #tpu.core_type<tc>, window_params = [{transform_indices = @transform_0, window_bounds = array<i64: 4000, 32>}, {transform_indices = @transform_1, window_bounds = array<i64: 32, 128>}, {}, {transform_indices = @transform_3, window_bounds = array<i64: 4000, 128>}]} {
    %get3A = arith.constant 0 : index
    %get3A_0 = arith.constant 0 : index
    %get3A_1 = vector.load %arg1[%get3A, %get3A_0] : memref<4000x32xf32, #tpu.memory_space<vmem>>, vector<4000x32xf32>
    %get3A_2 = arith.constant 0 : index
    %get3A_3 = arith.constant 0 : index
    %get3A_4 = vector.load %arg2[%get3A_2, %get3A_3] : memref<32x128xf32, #tpu.memory_space<vmem>>, vector<32x128xf32>
    %dot_general3A = arith.constant dense<0.000000e+00> : vector<4000x128xf32>
    %dot_general3A_5 = tpu.matmul %get3A_1, %get3A_4, %dot_general3A {dimension_numbers = #tpu.dot_dimension_numbers<[1], [0], [0], [1], [0, 0, 1, 1], [], []>, transpose_lhs_hint = false} : vector<4000x32xf32>, vector<32x128xf32>, vector<4000x128xf32> -> vector<4000x128xf32>
    %mul3A = arith.constant 11.3137083 : f32
    %mul3A_6 = vector.broadcast %mul3A : f32 to vector<4000x128xf32>
    %mul3A_7 = arith.mulf %dot_general3A_5, %mul3A_6 : vector<4000x128xf32>
    %swap3A = arith.constant 0 : index
    %swap3A_8 = arith.constant 0 : index
    %swap3A_9 = vector.load %arg4[%swap3A, %swap3A_8] : memref<4000x128xf32, #tpu.memory_space<vmem>>, vector<4000x128xf32>
    tpu.vector_store %arg4[%swap3A, %swap3A_8], %mul3A_7 {strides = array<i32>} : memref<4000x128xf32, #tpu.memory_space<vmem>>, vector<4000x128xf32>,
    return
  }
  func.func @transform_0(%arg0: i32) -> (i32, i32) {
    %c0_i32 = arith.constant 0 : i32
    %c0_i32_0 = arith.constant 0 : i32
    return %arg0, %c0_i32 : i32, i32
  }
  func.func @transform_1(%arg0: i32) -> (i32, i32) {
    %c0_i32 = arith.constant 0 : i32
    %c0_i32_0 = arith.constant 0 : i32
    %c0_i32_1 = arith.constant 0 : i32
    return %c0_i32, %c0_i32_0 : i32, i32
  }
  func.func @transform_3(%arg0: i32) -> (i32, i32) {
    %add3A = arith.constant 25 : i32
    %add3A_0 = arith.addi %arg0, %add3A : i32
    %c0_i32 = arith.constant 0 : i32
    %c0_i32_1 = arith.constant 0 : i32
    return %add3A_0, %c0_i32 : i32, i32
  }
}

module attributes {stable_mosaic.version = 14 : i64} {
  func.func @_proj_body(%arg0: i32, %arg1: memref<4000x32xf32, #tpu.memory_space<vmem>>, %arg2: memref<32x128xf32, #tpu.memory_space<vmem>>, %arg3: memref<1000000x128xf32, #tpu.memory_space<hbm>>, %arg4: memref<4000x128xf32, #tpu.memory_space<vmem>>) attributes {dimension_semantics = [#tpu.dimension_semantics<arbitrary>], iteration_bounds = array<i64: 0>, scalar_prefetch = 0 : i64, scratch_operands = 0 : i64, tpu.core_type = #tpu.core_type<tc>, window_params = [{transform_indices = @transform_0, window_bounds = array<i64: 4000, 32>}, {transform_indices = @transform_1, window_bounds = array<i64: 32, 128>}, {}, {transform_indices = @transform_3, window_bounds = array<i64: 4000, 128>}]} {
    %get3A = arith.constant 0 : index
    %get3A_0 = arith.constant 0 : index
    %get3A_1 = vector.load %arg1[%get3A, %get3A_0] : memref<4000x32xf32, #tpu.memory_space<vmem>>, vector<4000x32xf32>
    %get3A_2 = arith.constant 0 : index
    %get3A_3 = arith.constant 0 : index
    %get3A_4 = vector.load %arg2[%get3A_2, %get3A_3] : memref<32x128xf32, #tpu.memory_space<vmem>>, vector<32x128xf32>
    %dot_general3A = arith.constant dense<0.000000e+00> : vector<4000x128xf32>
    %dot_general3A_5 = tpu.matmul %get3A_1, %get3A_4, %dot_general3A {dimension_numbers = #tpu.dot_dimension_numbers<[1], [0], [0], [1], [0, 0, 1, 1], [], []>, transpose_lhs_hint = false} : vector<4000x32xf32>, vector<32x128xf32>, vector<4000x128xf32> -> vector<4000x128xf32>
    %mul3A = arith.constant 11.3137083 : f32
    %mul3A_6 = vector.broadcast %mul3A : f32 to vector<4000x128xf32>
    %mul3A_7 = arith.mulf %dot_general3A_5, %mul3A_6 : vector<4000x128xf32>
    %swap3A = arith.constant 0 : index
    %swap3A_8 = arith.constant 0 : index
    %swap3A_9 = vector.load %arg4[%swap3A, %swap3A_8] : memref<4000x128xf32, #tpu.memory_space<vmem>>, vector<4000x128xf32>
    tpu.vector_store %arg4[%swap3A, %swap3A_8], %mul3A_7 {strides = array<i32>} : memref<4000x128xf32, #tpu.memory_space<vmem>>, vector<4000x128xf32>,
    return
  }
  func.func @transform_0(%arg0: i32) -> (i32, i32) {
    %c0_i32 = arith.constant 0 : i32
    %c0_i32_0 = arith.constant 0 : i32
    return %arg0, %c0_i32 : i32, i32
  }
  func.func @transform_1(%arg0: i32) -> (i32, i32) {
    %c0_i32 = arith.constant 0 : i32
    %c0_i32_0 = arith.constant 0 : i32
    %c0_i32_1 = arith.constant 0 : i32
    return %c0_i32, %c0_i32_0 : i32, i32
  }
  func.func @transform_3(%arg0: i32) -> (i32, i32) {
    %add3A = arith.constant 125 : i32
    %add3A_0 = arith.addi %arg0, %add3A : i32
    %c0_i32 = arith.constant 0 : i32
    %c0_i32_1 = arith.constant 0 : i32
    return %add3A_0, %c0_i32 : i32, i32
  }
}

</mosaic_0001>

<sc_bundles>
// kernel: kernel.7.cloned.1.call-start
scs
__scs_entry_jumppad:
0x0: {  	(pc) =	sbr.rel $0x88, $3  }
0x1: {  	(tag) =	ssettag $0x0;
	lr =	simm.s32 $0x1  }
0x2: {  	[smem:$0x3F98] =	sst lr;
	_ =	strace $0xD0000000  }
0x3: {  	_ = 	snop  }
0x4: {  	_ = 	snop  }
0x5: {  	_ = 	snop  }
0x6: {  	_ = 	snop  }
0x7: {  	_ = 	snop  }
__scs_overlays_trampoline_lowered:
0x8: {  	[smem:$0x3FA7] =	sst s0  }
0x9: {  	[smem:$0x3FA8] =	sst s1  }
0xa: {  	[smem:$0x3FA9] =	sst s2  }
0xb: {  	[smem:$0x3FAA] =	sst s3  }
0xc: {  	[smem:$0x3FAB] =	sst s4  }
0xd: {  	[smem:$0x3FAC] =	sst s5  }
0xe: {  	[smem:$0x3FAD] =	sst s6  }
0xf: {  	[smem:$0x3FAE] =	sst s7  }
0x10: {  	[smem:$0x3FAF] =	sst s8  }
0x11: {  	[smem:$0x3FB0] =	sst s9;
	s0 =	simm.s32 @!p0 $0x0  }
0x12: {  	s1 =	sld [smem:$0x3F96];
	s0 =	simm.s32 @p0 $0x1  }
0x13: {  	[smem:$0x3FB1] =	sst s0;
	s0 =	simm.s32 @!p1 $0x0  }
0x14: {  	s2 =	sld [smem:$0x3F95];
	s0 =	simm.s32 @p1 $0x1  }
0x15: {  	[smem:$0x3FB2] =	sst s0;
	s0 =	simm.s32 @!p2 $0x0  }
0x16: {  	s3 =	sld [smem:$0x3FDB];
	s0 =	simm.s32 @p2 $0x1  }
0x17: {  	s4 =	simm.s32 $0x1BF5;
	[smem:$0x3FB4] =	sst s0  }
0x18: {  	s0 =	sld [smem:$0x3F97];
	_ =	swait.ge [sflag:s4], $0x0  }
0x19: {  	s7 =	sld [smem:$0x3F98]  }
0x1a: {  	s8 =	sadd.s32 $0xFFFFE003, lr  }
0x1b: {  	s9 =	sadd.s32 $0xFFFFFEF7, lr;
	s5 =	simm.s32 $0xFFFFFFFF;
	p2 =	slt.u32 s8, $0xFFFFF086  }
0x1c: {  	p1 =	slt.u32 s9, $0xF7A;
	s5 =	simm.s32 @!p2 $0x0  }
0x1d: {  	s5 =	simm.s32 @p1 $0x1;
	p0 =	seq.s32 s7, s2  }
0x1e: {  	s7 =	smul.u32 @!p0 $0xF7A, s2;
	p2 =	seq.s32 @!p0 s5, $0x0  }
0x1f: {  	s9 =	smul.u32 $0xF7A, s1;
	s8 =	simm.s32 @!p0 $0x1BF5;
	p2 =	por !p2, p0  }
0x20: {  	[sflag:s8] =	ssyncset.s32 @!p0 $0xFFFFF086;
	s6 =	sadd.s32 @!p0 s3, s7;
	s7 =	simm.s32 @!p0 $0x108  }
0x21: {  	s3 =	sadd.s32 s3, s9;
	s6 =	sadd.s32 @!p0 $0x88, s6;
	s7 =	simm.s32 @p2 $0x1082  }
0x22: {  	[simem:s7], [sflag:s8] =	dma.local @!p0 [hbm:s6], $0xF7A  }
0x23: {  	s9 =	sor.u32 $0xD0000000, s2;
	s6 =	simm.s32 $0x108;
	_ =	swait.ge @!p0 [sflag:s8], $0x0  }
0x24: {  	s3 =	sadd.s32 $0x88, s3;
	s6 =	simm.s32 @!p1 $0x1082;
	[sflag:s4] =	ssyncset.s32 $0xFFFFF086  }
0x25: {  	[simem:s6], [sflag:s4] =	dma.local [hbm:s3], $0xF7A  }
0x26: {  	[smem:$0x3F98] =	sst s1;
	(tag) =	ssettag s2;
	_ =	strace s9  }
0x27: {  	s1 =	sld [smem:$0x3FA8]  }
0x28: {  	s2 =	sld [smem:$0x3FA9]  }
0x29: {  	s4 =	sld [smem:$0x3FAB]  }
0x2a: {  	p0 =	seq.s32 s5, $0x0;
	s5 =	sld [smem:$0x3FAC]  }
0x2b: {  	s6 =	sld [smem:$0x3FAD]  }
0x2c: {  	s7 =	sld [smem:$0x3FAE]  }
0x2d: {  	s3 =	simm.s32 $0x108;
	s8 =	sld [smem:$0x3FAF]  }
0x2e: {  	s3 =	simm.s32 @!p0 $0x1082;
	s9 =	sld [smem:$0x3FB0]  }
0x2f: {  	lr =	sadd.s32 s0, s3;
	s0 =	sld [smem:$0x3FA7]  }
0x30: {  	s3 =	sld [smem:$0x3FAA]  }
0x31: {  	[smem:$0x3FB3] =	sst s10  }
0x32: {  	s10 =	sld [smem:$0x3FB1];
	_ =	sdelay $0x3  }
0x33: {  	p0 =	seq.s32 s10, $0x1;
	s10 =	sld [smem:$0x3FB3];
	_ =	sdelay $0x3  }
0x34: {  	[smem:$0x3FB3] =	sst s10  }
0x35: {  	s10 =	sld [smem:$0x3FB2];
	_ =	sdelay $0x3  }
0x36: {  	p1 =	seq.s32 s10, $0x1;
	s10 =	sld [smem:$0x3FB3];
	_ =	sdelay $0x3  }
0x37: {  	[smem:$0x3FB3] =	sst s10  }
0x38: {  	s10 =	sld [smem:$0x3FB4]  }
0x39: {  	_ = 	snop;
	(pc) =	sbr.ind lr, $3  }
0x3a: {  	_ = 	snop  }
0x3b: {  	_ = 	snop  }
0x3c: {  	p2 =	seq.s32 s10, $0x1;
	s10 =	sld [smem:$0x3FB3]  }
0x3d: {  	_ =	shalt  }
0x3e: {  	_ =	shalt  }
0x3f: {  	_ =	shalt  }
0x40: {  	_ =	shalt  }
0x41: {  	_ =	shalt  }
0x42: {  	_ =	shalt  }
0x43: {  	_ =	shalt  }
0x44: {  	_ =	shalt  }
0x45: {  	_ =	shalt  }
0x46: {  	_ =	shalt  }
0x47: {  	_ =	shalt  }
0x48: {  	_ =	shalt  }
0x49: {  	_ =	shalt  }
0x4a: {  	_ =	shalt  }
0x4b: {  	_ =	shalt  }
0x4c: {  	_ =	shalt  }
0x4d: {  	_ =	shalt  }
0x4e: {  	_ =	shalt  }
0x4f: {  	_ =	shalt  }
0x50: {  	_ =	shalt  }
0x51: {  	_ =	shalt  }
0x52: {  	_ =	shalt  }
0x53: {  	_ =	shalt  }
0x54: {  	_ =	shalt  }
0x55: {  	_ =	shalt  }
0x56: {  	_ =	shalt  }
0x57: {  	_ =	shalt  }
0x58: {  	_ =	shalt  }
0x59: {  	_ =	shalt  }
0x5a: {  	_ =	shalt  }
0x5b: {  	_ =	shalt  }
0x5c: {  	_ =	shalt  }
0x5d: {  	_ =	shalt  }
0x5e: {  	_ =	shalt  }
0x5f: {  	_ =	shalt  }
0x60: {  	_ =	shalt  }
0x61: {  	_ =	shalt  }
0x62: {  	_ =	shalt  }
0x63: {  	_ =	shalt  }
0x64: {  	_ =	shalt  }
0x65: {  	_ =	shalt  }
0x66: {  	_ =	shalt  }
0x67: {  	_ =	shalt  }
0x68: {  	_ =	shalt  }
0x69: {  	_ =	shalt  }
0x6a: {  	_ =	shalt  }
0x6b: {  	_ =	shalt  }
0x6c: {  	_ =	shalt  }
0x6d: {  	_ =	shalt  }
0x6e: {  	_ =	shalt  }
0x6f: {  	_ =	shalt  }
0x70: {  	_ =	shalt  }
0x71: {  	_ =	shalt  }
0x72: {  	_ =	shalt  }
0x73: {  	_ =	shalt  }
0x74: {  	_ =	shalt  }
0x75: {  	_ =	shalt  }
0x76: {  	_ =	shalt  }
0x77: {  	_ =	shalt  }
0x78: {  	_ =	shalt  }
0x79: {  	_ =	shalt  }
0x7a: {  	_ =	shalt  }
0x7b: {  	_ =	shalt  }
0x7c: {  	_ =	shalt  }
0x7d: {  	_ =	shalt  }
0x7e: {  	_ =	shalt  }
0x7f: {  	_ =	shalt  }
0x80: {  	_ =	shalt  }
0x81: {  	_ =	shalt  }
0x82: {  	_ =	shalt  }
0x83: {  	_ =	shalt  }
0x84: {  	_ =	shalt  }
0x85: {  	_ =	shalt  }
0x86: {  	_ =	shalt  }
0x87: {  	_ =	shalt  }
.Lfunc_end0:
.L_simem_size_0:
called_computation_lowered:
.L_overlay_start_0:
0x88: {  	s2 =	sld [smem:$0x3FD9]  }
0x89: {  	s3 =	sld [smem:$0x3FFE];
	_ =	sdelay $0x1  }
0x8a: {  	s1 =	srdreg.scid  }
0x8b: {  	s0 =	sand.u32 $0x1, s1  }
0x8c: {  	s17 =	sshll.u32 s0, $0xA;
	s2 =	sadd.s32 s3, s2  }
0x8d: {  	s2 =	sadd.s32 s2, s17  }
0x8e: {  	[smem:$0x3FBF] =	sst s2  }
0x8f: {  	_ = 	snop  }
0x90: {  	s2 =	sld [smem:$0x3FD0];
	(tm) =	ssettm $0x1  }
0x91: {  	s18 =	sld [smem:$0x3FFB];
	_ =	sdelay $0x3  }
0x92: {  	_ =	strace s18  }
0x93: {  	s3 =	sld [smem:$0x3FFC];
	_ =	sdelay $0x3  }
0x94: {  	_ =	strace s3  }
0x95: {  	s3 =	sld [smem:$0x3FFD];
	_ =	sdelay $0x3  }
0x96: {  	_ =	strace s3  }
0x97: {  	_ =	strace $0x8FFFFFFF  }
0x98: {  	s19 =	sld [smem:$0x3FDB];
	_ =	sdelay $0x1  }
0x99: {  	s4 =	simm.s32 $_scs_section_size  }
0x9a: {  	s5 =	simm.s32 $_size__tile_overlayer_lowered;
	s6 =	simm.s32 $_tile_overlayer_lowered  }
0x9b: {  	s22 =	simm.s32 $0x1BFF;
	s21 =	sshll.u32 s6, $0x1;
	s3 =	sadd.s32 s4, s19  }
0x9c: {  	s7 =	simm.s32 $0x0;
	s20 =	sshll.u32 s5, $0x1;
	s5 =	sadd.s32 s21, s3  }
0x9d: {  	[timem:s7], [sflag:s22] =	dma.local [hbm:s5], s20  }
0x9e: {  	_ =	swait.ge [sflag:s22], s20  }
0x9f: {  	s4 =	ssub.s32 $0x0, s20;
	[sflag:s22] =	ssyncset.done $0x0  }
0xa0: {  	[sflag:s22] =	ssyncadd.s32 s4;
	_ =	sdelay $0x1  }
0xa1: {  	s23 =	simm.s32 $0x1B8B  }
0xa2: {  	_ =	swait.ge [sflag:s23], $0x1  }
0xa3: {  	[sflag:s23] =	ssyncset.done $0x0  }
0xa4: {  	s25 =	simm.s32 $0x1B8E;
	s24 =	sld [smem:$0x3FFE];
	[sflag:s23] =	ssyncadd.s32 $0xFFFFFFFF  }
0xa5: {  	s26 =	simm.s32 $execute0_lowered;
	[smem:$0x3FD2] =	sst s25  }
0xa6: {  	s5 =	sshll.u32 s26, $0x1;
	_ =	strace $0x80000046;
	[dreg:$0x1] =	wrdreg $0xFFFFFFFF  }
0xa7: {  	s28 =	simm.s32 $_size_execute0_lowered;
	s3 =	sadd.s32 s3, s5;
	[dreg:$0x0] =	wrdreg $0x0  }
0xa8: {  	s5 =	sshll.u32 s28, $0x1;
	[dreg:$0x2] =	wrdreg s3  }
0xa9: {  	[dreg:$0x3] =	wrdreg s5  }
0xaa: {  	[dreg:$0x4] =	wrdreg $0xC0  }
0xab: {  	_ =	task [dreg:s7], $0x5FFFF  }
0xac: {  	[dreg:$0x1] =	wrdreg $0xFFFFFFFF  }
0xad: {  	[dreg:$0x0] =	wrdreg $0x60  }
0xae: {  	[dreg:$0x2] =	wrdreg s24  }
0xaf: {  	[dreg:$0x3] =	wrdreg s2  }
0xb0: {  	[dreg:$0x4] =	wrdreg $0x9  }
0xb1: {  	_ =	task.clear_ibuf [dreg:s7], $0x5FFFF;
	_ =	strace $0x90000046  }
0xb2: {  	s29 =	simm.s32 $0x9;
	_ =	strace $0x80000048  }
0xb3: {  	_ =	swait.ge [sflag:s29], $0x1  }
0xb4: {  	[sflag:s29] =	ssyncadd.s32 $0xFFFFFFFF  }
0xb5: {  	_ =	strace $0x90000048  }
0xb6: {  	_ =	sfence  }
0xb7: {  	s30 =	sld [smem:$0x0];
	_ =	sdelay $0x2  }
0xb8: {  	s31 =	sshll.u32 s1, $0xD;
	s1 =	sshrl.u32 s1, $0x2  }
0xb9: {  	s3 =	sand.u32 $0x4000, s31;
	s1 =	sadd.s32 s1, s30  }
0xba: {  	s0 =	sor.u32 s3, s0;
	s1 =	sshll.u32 s1, $0x11  }
0xbb: {  	s0 =	sor.u32 s1, s0  }
0xbc: {  	s0 =	sadd.s32 $0x8F2B, s0  }
0xbd: {  	[sflag:s0] =	ssyncadd.remote.s32 $0x1  }
0xbe: {  	_ =	sfence.sel $0xFFFF  }
0xbf: {  	[dreg:$0x0] =	wrdreg $0xFFFFFFFF;
	(pc) =	sbr.abs _section_cstart, $3  }
0xc0: {  	[dreg:$0x1] =	wrdreg $0xFFFFFFFF  }
0xc1: {  	_ =	task.clear_ibuf [dreg:s7], $0x2FFFF;
	_ =	strace $0x9FFFFFFF  }
0xc2: {  	(tm) =	ssettm $0x7FFFFFFF  }
0xc3: {  	_ =	shalt  }
tec
execute0_lowered:
.L_overlay_start_1:
0x0: {  	(tag) =	ssettag $0x1  }
0x1: {  	s0 =	rddreg [dreg:$0x0];
	s1 =	srdreg.scid  }
0x2: {  	s9 =	stileid.u32;
	s4 =	rddreg [dreg:$0x1];
	s2 =	simm.s32 $0x0  }
0x3: {  	s28 =	simm.s32 $0xA400;
	s30 =	simm.s32 $0xC400;
	s14 =	smul.u32 $0x640000, s9  }
0x4: {  	s1 =	sand.u32 $0x1, s1;
	s3 =	sshll.u32 s9, $0x1;
	s22 =	smul.u32 $0xC8000, s9  }
0x5: {  	s29 =	simm.s32 $0x10400;
	s5 =	sor.u32 s1, s3;
	s15 =	smul.u32 $0x320000, s1  }
0x6: {  	s31 =	simm.s32 $0x2;
	[smem:$0x7FF] =	sst s2;
	s3 =	smul.u32 $0x6400, s5  }
0x7: {  	s9 =	simm.s32 $0x5;
	s7 =	ssub.s32 $0x2, s1;
	s8 =	smul.u32 $0x64000, s5  }
0x8: {  	_ =	strace $0x80000047;
	s1 =	smul.u32 $0x64000, s1;
	s23 =	sshrl.u32 s7, $0x1  }
0x9: {  	s6 =	sshrl.u32 s3, $0x3;
	s3 =	sadd.s32 $0x1B600, s0;
	s24 =	sadd.s32 s4, s8  }
0xa: {  	s8 =	smul.u32 $0x320000, s5;
	s25 =	sadd.s32 $0x400, s24;
	[dreg:$0x6] =	wrdreg s24  }
0xb: {  	s5 =	sadd.s32 s15, s14;
	s26 =	sadd.s32 $0x800, s24;
	[dreg:$0x7] =	wrdreg s25  }
0xc: {  	s14 =	simm.s32 $0xC;
	s10 =	sadd.s32 $0xC00, s24;
	[dreg:$0x8] =	wrdreg s26  }
0xd: {  	s15 =	simm.s32 $0x8;
	s11 =	sadd.s32 $0x1000, s24;
	[dreg:$0x9] =	wrdreg s10  }
0xe: {  	s0 =	sadd.s32 s6, s0;
	s12 =	sadd.s32 $0x1400, s24;
	[dreg:$0xa] =	wrdreg s11  }
0xf: {  	s6 =	ssub.s32 s7, s23;
	s13 =	sadd.s32 $0x1800, s24;
	[dreg:$0xb] =	wrdreg s12  }
0x10: {  	s7 =	sadd.s32 $0x1C00, s24;
	s5 =	sor.u32 $0x10000, s5;
	[dreg:$0xc] =	wrdreg s13  }
0x11: {  	s0 =	sadd.s32 $0x2600, s0;
	[dreg:$0xd] =	wrdreg s7;
	s5 =	sshrl.u32 s5, $0x3  }
0x12: {  	s25 =	smax.u32 s6, $0x1;
	s6 =	simm.s32 $0x14400;
	s7 =	simm.s32 $0x4  }
0x13: {  	s10 =	simm.s32 $0xA;
	[dreg:$0x5] =	wrdreg s0;
	s0 =	sshrl.u32 s8, $0x3  }
0x14: {  	s24 =	sadd.s32 s5, s4;
	[dreg:$0x16] =	wrdreg s25;
	s0 =	sadd.s32 s4, s0  }
0x15: {  	s11 =	simm.s32 $0x6;
	[dreg:$0x3] =	wrdreg s24;
	s16 =	sadd.s32 $0x62000, s0  }
0x16: {  	s12 =	simm.s32 $0xB;
	s17 =	sadd.s32 $0x62400, s0;
	[dreg:$0xe] =	wrdreg s16  }
0x17: {  	s13 =	simm.s32 $0x7;
	s18 =	sadd.s32 $0x62800, s0;
	[dreg:$0xf] =	wrdreg s17  }
0x18: {  	s25 =	simm.s32 $0x8400;
	s19 =	sadd.s32 $0x62C00, s0;
	[dreg:$0x10] =	wrdreg s18  }
0x19: {  	s8 =	simm.s32 $0x9;
	s20 =	sadd.s32 $0x63000, s0;
	[dreg:$0x11] =	wrdreg s19  }
0x1a: {  	s4 =	sadd.s32 s22, s4;
	s21 =	sadd.s32 $0x63400, s0;
	[dreg:$0x12] =	wrdreg s20  }
0x1b: {  	s24 =	simm.s32 $0x6400;
	s23 =	sadd.s32 $0x63800, s0;
	[dreg:$0x13] =	wrdreg s21  }
0x1c: {  	s0 =	sadd.s32 $0x63C00, s0;
	s26 =	sadd.s32 s1, s4;
	[dreg:$0x14] =	wrdreg s23  }
0x1d: {  	s1 =	simm.s32 $0xE400;
	s4 =	simm.s32 $0x3;
	[dreg:$0x15] =	wrdreg s0  }
0x1e: {  	[dreg:$0x4] =	wrdreg s26;
	s23 =	simm.s32 $0x40;
	s0 =	simm.s32 $0x1  }
0x1f: {  	s26 =	simm.s32 $0x12400;
	s16 =	simm.s32 $0xD;
	s17 =	simm.s32 $0xE  }
0x20: {  	s18 =	simm.s32 $0xF;
	s19 =	simm.s32 $0x10;
	s20 =	simm.s32 $0x0  }
.LBB2_1:
0x21: {  	[dreg:$0x17] =	wrdreg s20  }
0x22: {  	s5 =	rddreg [dreg:$0x5];
	s20 =	simm.s32 $0x11  }
0x23: {  	[tilespmem:s2], [sflag:$0x11] =	stream.linear.gather [hbm4b:s5+s2], $0x6400, $0x38;
	[tilespmem:$0x16400] =	vst v63  }
0x24: {  	_ =	swait.ge [sflag:s20], $0x6400  }
0x25: {  	[sflag:s20] =	ssyncset.done $0x0  }
0x26: {  	[sflag:s20] =	ssyncadd.s32 $0xFFFF9C00  }
0x27: {  	[tilespmem:s24], [sflag:$0x1] =	stream.indirect.gather [hbm4b:s3+s23], $0x80, s2, s23, $0xb8;
	[tilespmem:$0x16400] =	vst v63  }
0x28: {  	_ = 	snop  }
0x29: {  	[tilespmem:s25], [sflag:$0x2] =	stream.indirect.gather [hbm4b:s3+s23], $0x80, s23, s23, $0xb8;
	[tilespmem:$0x16400] =	vst v63  }
0x2a: {  	s21 =	simm.s32 $0x80  }
0x2b: {  	[tilespmem:s28], [sflag:$0x3] =	stream.indirect.gather [hbm4b:s3+s23], $0x80, s21, s23, $0xb8;
	[tilespmem:$0x16400] =	vst v63  }
0x2c: {  	s22 =	simm.s32 $0xC0  }
0x2d: {  	[tilespmem:s30], [sflag:$0x4] =	stream.indirect.gather [hbm4b:s3+s23], $0x80, s22, s23, $0xb8;
	[tilespmem:$0x16400] =	vst v63  }
0x2e: {  	s20 =	simm.s32 $0x100  }
0x2f: {  	[tilespmem:s1], [sflag:$0x5] =	stream.indirect.gather [hbm4b:s3+s23], $0x80, s20, s23, $0xb8;
	[tilespmem:$0x16400] =	vst v63  }
0x30: {  	_ =	swait.ge [sflag:s0], $0x2000  }
0x31: {  	[sflag:s0] =	ssyncset.done $0x0  }
0x32: {  	s21 =	rddreg [dreg:$0x6];
	[sflag:s0] =	ssyncadd.s32 $0xFFFFE000  }
0x33: {  	[hbm4b:s21+s2] =	stream.linear.scatter [tilespmem:s24], [sflag:$0x9], $0x2000, $0x38;
	[tilespmem:$0x16400] =	vst v63  }
0x34: {  	s22 =	simm.s32 $0x140  }
0x35: {  	[tilespmem:s29], [sflag:$0x6] =	stream.indirect.gather [hbm4b:s3+s23], $0x80, s22, s23, $0xb8;
	[tilespmem:$0x16400] =	vst v63  }
0x36: {  	_ =	swait.ge [sflag:s31], $0x2000  }
0x37: {  	[sflag:s31] =	ssyncset.done $0x0  }
0x38: {  	s20 =	rddreg [dreg:$0x7];
	[sflag:s31] =	ssyncadd.s32 $0xFFFFE000  }
0x39: {  	[hbm4b:s20+s2] =	stream.linear.scatter [tilespmem:s25], [sflag:$0xA], $0x2000, $0x38;
	[tilespmem:$0x16400] =	vst v63  }
0x3a: {  	s21 =	simm.s32 $0x180  }
0x3b: {  	[tilespmem:s26], [sflag:$0x7] =	stream.indirect.gather [hbm4b:s3+s23], $0x80, s21, s23, $0xb8;
	[tilespmem:$0x16400] =	vst v63  }
0x3c: {  	_ =	swait.ge [sflag:s4], $0x2000  }
0x3d: {  	[sflag:s4] =	ssyncset.done $0x0  }
0x3e: {  	s22 =	rddreg [dreg:$0x8];
	[sflag:s4] =	ssyncadd.s32 $0xFFFFE000  }
0x3f: {  	[hbm4b:s22+s2] =	stream.linear.scatter [tilespmem:s28], [sflag:$0xB], $0x2000, $0x38;
	[tilespmem:$0x16400] =	vst v63  }
0x40: {  	s20 =	simm.s32 $0x1C0  }
0x41: {  	[tilespmem:s6], [sflag:$0x8] =	stream.indirect.gather [hbm4b:s3+s23], $0x80, s20, s23, $0xb8;
	[tilespmem:$0x16400] =	vst v63  }
0x42: {  	_ =	swait.ge [sflag:s7], $0x2000  }
0x43: {  	[sflag:s7] =	ssyncset.done $0x0  }
0x44: {  	s21 =	rddreg [dreg:$0x9];
	[sflag:s7] =	ssyncadd.s32 $0xFFFFE000  }
0x45: {  	[hbm4b:s21+s2] =	stream.linear.scatter [tilespmem:s30], [sflag:$0xC], $0x2000, $0x38;
	[tilespmem:$0x16400] =	vst v63  }
0x46: {  	_ =	swait.ge [sflag:s8], $0x2000  }
0x47: {  	[sflag:s8] =	ssyncset.done $0x0  }
0x48: {  	s22 =	simm.s32 $0x200;
	[sflag:s8] =	ssyncadd.s32 $0xFFFFE000  }
0x49: {  	[tilespmem:s24], [sflag:$0x1] =	stream.indirect.gather [hbm4b:s3+s23], $0x80, s22, s23, $0xb8;
	[tilespmem:$0x16400] =	vst v63  }
0x4a: {  	_ =	swait.ge [sflag:s9], $0x2000  }
0x4b: {  	[sflag:s9] =	ssyncset.done $0x0  }
0x4c: {  	s20 =	rddreg [dreg:$0xa];
	[sflag:s9] =	ssyncadd.s32 $0xFFFFE000  }
0x4d: {  	[hbm4b:s20+s2] =	stream.linear.scatter [tilespmem:s1], [sflag:$0xD], $0x2000, $0x38;
	[tilespmem:$0x16400] =	vst v63  }
0x4e: {  	_ =	swait.ge [sflag:s10], $0x2000  }
0x4f: {  	[sflag:s10] =	ssyncset.done $0x0  }
0x50: {  	s21 =	simm.s32 $0x240;
	[sflag:s10] =	ssyncadd.s32 $0xFFFFE000  }
0x51: {  	[tilespmem:s25], [sflag:$0x2] =	stream.indirect.gather [hbm4b:s3+s23], $0x80, s21, s23, $0xb8;
	[tilespmem:$0x16400] =	vst v63  }
0x52: {  	_ =	swait.ge [sflag:s11], $0x2000  }
0x53: {  	[sflag:s11] =	ssyncset.done $0x0  }
0x54: {  	s22 =	rddreg [dreg:$0xb];
	[sflag:s11] =	ssyncadd.s32 $0xFFFFE000  }
0x55: {  	[hbm4b:s22+s2] =	stream.linear.scatter [tilespmem:s29], [sflag:$0xE], $0x2000, $0x38;
	[tilespmem:$0x16400] =	vst v63  }
0x56: {  	_ =	swait.ge [sflag:s12], $0x2000  }
0x57: {  	[sflag:s12] =	ssyncset.done $0x0  }
0x58: {  	s20 =	simm.s32 $0x280;
	[sflag:s12] =	ssyncadd.s32 $0xFFFFE000  }
0x59: {  	[tilespmem:s28], [sflag:$0x3] =	stream.indirect.gather [hbm4b:s3+s23], $0x80, s20, s23, $0xb8;
	[tilespmem:$0x16400] =	vst v63  }
0x5a: {  	_ =	swait.ge [sflag:s13], $0x2000  }
0x5b: {  	[sflag:s13] =	ssyncset.done $0x0  }
0x5c: {  	s21 =	rddreg [dreg:$0xc];
	[sflag:s13] =	ssyncadd.s32 $0xFFFFE000  }
0x5d: {  	[hbm4b:s21+s2] =	stream.linear.scatter [tilespmem:s26], [sflag:$0xF], $0x2000, $0x38;
	[tilespmem:$0x16400] =	vst v63  }
0x5e: {  	_ =	swait.ge [sflag:s14], $0x2000  }
0x5f: {  	[sflag:s14] =	ssyncset.done $0x0  }
0x60: {  	s22 =	simm.s32 $0x2C0;
	[sflag:s14] =	ssyncadd.s32 $0xFFFFE000  }
0x61: {  	[tilespmem:s30], [sflag:$0x4] =	stream.indirect.gather [hbm4b:s3+s23], $0x80, s22, s23, $0xb8;
	[tilespmem:$0x16400] =	vst v63  }
0x62: {  	_ =	swait.ge [sflag:s15], $0x2000  }
0x63: {  	[sflag:s15] =	ssyncset.done $0x0  }
0x64: {  	s20 =	rddreg [dreg:$0xd];
	[sflag:s15] =	ssyncadd.s32 $0xFFFFE000  }
0x65: {  	[hbm4b:s20+s2] =	stream.linear.scatter [tilespmem:s6], [sflag:$0x10], $0x2000, $0x38;
	[tilespmem:$0x16400] =	vst v63  }
0x66: {  	_ =	swait.ge [sflag:s16], $0x2000  }
0x67: {  	[sflag:s16] =	ssyncset.done $0x0  }
0x68: {  	s21 =	simm.s32 $0x300;
	[sflag:s16] =	ssyncadd.s32 $0xFFFFE000  }
0x69: {  	[tilespmem:s1], [sflag:$0x5] =	stream.indirect.gather [hbm4b:s3+s23], $0x80, s21, s23, $0xb8;
	[tilespmem:$0x16400] =	vst v63  }
0x6a: {  	_ =	swait.ge [sflag:s0], $0x2000  }
0x6b: {  	s22 =	rddreg [dreg:$0x3];
	[sflag:s0] =	ssyncset.done $0x0  }
0x6c: {  	[sflag:s0] =	ssyncadd.s32 $0xFFFFE000;
	s5 =	sadd.s32 $0x0, s22  }
0x6d: {  	[hbm4b:s5+s2] =	stream.linear.scatter [tilespmem:s24], [sflag:$0x9], $0x2000, $0x38;
	[tilespmem:$0x16400] =	vst v63  }
0x6e: {  	_ =	swait.ge [sflag:s17], $0x2000  }
0x6f: {  	[sflag:s17] =	ssyncset.done $0x0  }
0x70: {  	s20 =	simm.s32 $0x340;
	[sflag:s17] =	ssyncadd.s32 $0xFFFFE000  }
0x71: {  	[tilespmem:s29], [sflag:$0x6] =	stream.indirect.gather [hbm4b:s3+s23], $0x80, s20, s23, $0xb8;
	[tilespmem:$0x16400] =	vst v63  }
0x72: {  	_ =	swait.ge [sflag:s31], $0x2000  }
0x73: {  	s21 =	rddreg [dreg:$0x4]  }
0x74: {  	[sflag:s31] =	ssyncset.done $0x0;
	s5 =	sadd.s32 $0x0, s21  }
0x75: {  	[sflag:s31] =	ssyncadd.s32 $0xFFFFE000;
	s21 =	sadd.s32 $0x2400, s5  }
0x76: {  	[hbm4b:s21+s2] =	stream.linear.scatter [tilespmem:s25], [sflag:$0xA], $0x2000, $0x38;
	[tilespmem:$0x16400] =	vst v63  }
0x77: {  	_ =	swait.ge [sflag:s18], $0x2000  }
0x78: {  	[sflag:s18] =	ssyncset.done $0x0  }
0x79: {  	s22 =	simm.s32 $0x380;
	[sflag:s18] =	ssyncadd.s32 $0xFFFFE000  }
0x7a: {  	[tilespmem:s26], [sflag:$0x7] =	stream.indirect.gather [hbm4b:s3+s23], $0x80, s22, s23, $0xb8;
	[tilespmem:$0x16400] =	vst v63  }
0x7b: {  	_ =	swait.ge [sflag:s4], $0x2000  }
0x7c: {  	[sflag:s4] =	ssyncset.done $0x0  }
0x7d: {  	s20 =	sadd.s32 $0x2800, s5;
	[sflag:s4] =	ssyncadd.s32 $0xFFFFE000  }
0x7e: {  	[hbm4b:s20+s2] =	stream.linear.scatter [tilespmem:s28], [sflag:$0xB], $0x2000, $0x38;
	[tilespmem:$0x16400] =	vst v63  }
0x7f: {  	_ =	swait.ge [sflag:s19], $0x2000  }
0x80: {  	[sflag:s19] =	ssyncset.done $0x0  }
0x81: {  	s22 =	simm.s32 $0x3C0;
	[sflag:s19] =	ssyncadd.s32 $0xFFFFE000  }
0x82: {  	[tilespmem:s6], [sflag:$0x8] =	stream.indirect.gather [hbm4b:s3+s23], $0x80, s22, s23, $0xb8;
	[tilespmem:$0x16400] =	vst v63  }
0x83: {  	_ =	swait.ge [sflag:s7], $0x2000  }
0x84: {  	[sflag:s7] =	ssyncset.done $0x0  }
0x85: {  	s20 =	sadd.s32 $0x2C00, s5;
	[sflag:s7] =	ssyncadd.s32 $0xFFFFE000  }
0x86: {  	[hbm4b:s20+s2] =	stream.linear.scatter [tilespmem:s30], [sflag:$0xC], $0x2000, $0x38;
	[tilespmem:$0x16400] =	vst v63  }
0x87: {  	_ =	swait.ge [sflag:s8], $0x2000  }
0x88: {  	[sflag:s8] =	ssyncset.done $0x0  }
0x89: {  	s22 =	simm.s32 $0x400;
	[sflag:s8] =	ssyncadd.s32 $0xFFFFE000  }
0x8a: {  	[tilespmem:s24], [sflag:$0x1] =	stream.indirect.gather [hbm4b:s3+s23], $0x80, s22, s23, $0xb8;
	[tilespmem:$0x16400] =	vst v63  }
0x8b: {  	_ =	swait.ge [sflag:s9], $0x2000  }
0x8c: {  	[sflag:s9] =	ssyncset.done $0x0  }
0x8d: {  	s20 =	sadd.s32 $0x3000, s5;
	[sflag:s9] =	ssyncadd.s32 $0xFFFFE000  }
0x8e: {  	[hbm4b:s20+s2] =	stream.linear.scatter [tilespmem:s1], [sflag:$0xD], $0x2000, $0x38;
	[tilespmem:$0x16400] =	vst v63  }
0x8f: {  	_ =	swait.ge [sflag:s10], $0x2000  }
0x90: {  	[sflag:s10] =	ssyncset.done $0x0  }
0x91: {  	s22 =	simm.s32 $0x440;
	[sflag:s10] =	ssyncadd.s32 $0xFFFFE000  }
0x92: {  	[tilespmem:s25], [sflag:$0x2] =	stream.indirect.gather [hbm4b:s3+s23], $0x80, s22, s23, $0xb8;
	[tilespmem:$0x16400] =	vst v63  }
0x93: {  	_ =	swait.ge [sflag:s11], $0x2000  }
0x94: {  	[sflag:s11] =	ssyncset.done $0x0  }
0x95: {  	s20 =	sadd.s32 $0x3400, s5;
	[sflag:s11] =	ssyncadd.s32 $0xFFFFE000  }
0x96: {  	[hbm4b:s20+s2] =	stream.linear.scatter [tilespmem:s29], [sflag:$0xE], $0x2000, $0x38;
	[tilespmem:$0x16400] =	vst v63  }
0x97: {  	_ =	swait.ge [sflag:s12], $0x2000  }
0x98: {  	[sflag:s12] =	ssyncset.done $0x0  }
0x99: {  	s22 =	simm.s32 $0x480;
	[sflag:s12] =	ssyncadd.s32 $0xFFFFE000  }
0x9a: {  	[tilespmem:s28], [sflag:$0x3] =	stream.indirect.gather [hbm4b:s3+s23], $0x80, s22, s23, $0xb8;
	[tilespmem:$0x16400] =	vst v63  }
0x9b: {  	_ =	swait.ge [sflag:s13], $0x2000  }
0x9c: {  	[sflag:s13] =	ssyncset.done $0x0  }
0x9d: {  	s20 =	sadd.s32 $0x3800, s5;
	[sflag:s13] =	ssyncadd.s32 $0xFFFFE000  }
0x9e: {  	[hbm4b:s20+s2] =	stream.linear.scatter [tilespmem:s26], [sflag:$0xF], $0x2000, $0x38;
	[tilespmem:$0x16400] =	vst v63  }
0x9f: {  	_ =	swait.ge [sflag:s14], $0x2000  }
0xa0: {  	[sflag:s14] =	ssyncset.done $0x0  }
0xa1: {  	s22 =	simm.s32 $0x4C0;
	[sflag:s14] =	ssyncadd.s32 $0xFFFFE000  }
0xa2: {  	[tilespmem:s30], [sflag:$0x4] =	stream.indirect.gather [hbm4b:s3+s23], $0x80, s22, s23, $0xb8;
	[tilespmem:$0x16400] =	vst v63  }
0xa3: {  	_ =	swait.ge [sflag:s15], $0x2000  }
0xa4: {  	s21 =	simm.s32 $0x2000;
	[sflag:s15] =	ssyncset.done $0x0  }
0xa5: {  	s22 =	sadd.s32 $0x3C00, s5;
	s5 =	simm.s32 $0x6C0;
	[sflag:s15] =	ssyncadd.s32 $0xFFFFE000  }
.LBB2_2:
0xa6: {  	[hbm4b:s22+s2] =	stream.linear.scatter [tilespmem:s6], [sflag:$0x10], $0x2000, $0x38;
	[tilespmem:$0x16400] =	vst v63  }
0xa7: {  	_ =	swait.ge [sflag:s16], $0x2000  }
0xa8: {  	[sflag:s16] =	ssyncset.done $0x0  }
0xa9: {  	s20 =	sadd.s32 $0xFFFFFE40, s5;
	[sflag:s16] =	ssyncadd.s32 $0xFFFFE000  }
0xaa: {  	[tilespmem:s1], [sflag:$0x5] =	stream.indirect.gather [hbm4b:s3+s23], $0x80, s20, s23, $0xb8;
	[tilespmem:$0x16400] =	vst v63  }
0xab: {  	_ =	swait.ge [sflag:s0], $0x2000  }
0xac: {  	s22 =	smov.u32 s21;
	s20 =	rddreg [dreg:$0x3];
	[sflag:s0] =	ssyncset.done $0x0  }
0xad: {  	[sflag:s0] =	ssyncadd.s32 $0xFFFFE000;
	s20 =	sadd.s32 s22, s20  }
0xae: {  	[hbm4b:s20+s2] =	stream.linear.scatter [tilespmem:s24], [sflag:$0x9], $0x2000, $0x38;
	[tilespmem:$0x16400] =	vst v63  }
0xaf: {  	_ =	swait.ge [sflag:s17], $0x2000  }
0xb0: {  	[sflag:s17] =	ssyncset.done $0x0  }
0xb1: {  	s20 =	sadd.s32 $0xFFFFFE80, s5;
	[sflag:s17] =	ssyncadd.s32 $0xFFFFE000  }
0xb2: {  	[tilespmem:s29], [sflag:$0x6] =	stream.indirect.gather [hbm4b:s3+s23], $0x80, s20, s23, $0xb8;
	[tilespmem:$0x16400] =	vst v63  }
0xb3: {  	_ =	swait.ge [sflag:s31], $0x2000  }
0xb4: {  	s20 =	rddreg [dreg:$0x4]  }
0xb5: {  	[sflag:s31] =	ssyncset.done $0x0;
	s22 =	sadd.s32 s22, s20  }
0xb6: {  	[sflag:s31] =	ssyncadd.s32 $0xFFFFE000;
	s20 =	sadd.s32 $0x2400, s22  }
0xb7: {  	[hbm4b:s20+s2] =	stream.linear.scatter [tilespmem:s25], [sflag:$0xA], $0x2000, $0x38;
	[tilespmem:$0x16400] =	vst v63  }
0xb8: {  	_ =	swait.ge [sflag:s18], $0x2000  }
0xb9: {  	[sflag:s18] =	ssyncset.done $0x0  }
0xba: {  	s20 =	sadd.s32 $0xFFFFFEC0, s5;
	[sflag:s18] =	ssyncadd.s32 $0xFFFFE000  }
0xbb: {  	[tilespmem:s26], [sflag:$0x7] =	stream.indirect.gather [hbm4b:s3+s23], $0x80, s20, s23, $0xb8;
	[tilespmem:$0x16400] =	vst v63  }
0xbc: {  	_ =	swait.ge [sflag:s4], $0x2000  }
0xbd: {  	[sflag:s4] =	ssyncset.done $0x0  }
0xbe: {  	s20 =	sadd.s32 $0x2800, s22;
	[sflag:s4] =	ssyncadd.s32 $0xFFFFE000  }
0xbf: {  	[hbm4b:s20+s2] =	stream.linear.scatter [tilespmem:s28], [sflag:$0xB], $0x2000, $0x38;
	[tilespmem:$0x16400] =	vst v63  }
0xc0: {  	_ =	swait.ge [sflag:s19], $0x2000  }
0xc1: {  	[sflag:s19] =	ssyncset.done $0x0  }
0xc2: {  	s20 =	sadd.s32 $0xFFFFFF00, s5;
	[sflag:s19] =	ssyncadd.s32 $0xFFFFE000  }
0xc3: {  	[tilespmem:s6], [sflag:$0x8] =	stream.indirect.gather [hbm4b:s3+s23], $0x80, s20, s23, $0xb8;
	[tilespmem:$0x16400] =	vst v63  }
0xc4: {  	_ =	swait.ge [sflag:s7], $0x2000  }
0xc5: {  	[sflag:s7] =	ssyncset.done $0x0  }
0xc6: {  	s20 =	sadd.s32 $0x2C00, s22;
	[sflag:s7] =	ssyncadd.s32 $0xFFFFE000  }
0xc7: {  	[hbm4b:s20+s2] =	stream.linear.scatter [tilespmem:s30], [sflag:$0xC], $0x2000, $0x38;
	[tilespmem:$0x16400] =	vst v63  }
0xc8: {  	_ =	swait.ge [sflag:s8], $0x2000  }
0xc9: {  	[sflag:s8] =	ssyncset.done $0x0  }
0xca: {  	s20 =	sadd.s32 $0xFFFFFF40, s5;
	[sflag:s8] =	ssyncadd.s32 $0xFFFFE000  }
0xcb: {  	[tilespmem:s24], [sflag:$0x1] =	stream.indirect.gather [hbm4b:s3+s23], $0x80, s20, s23, $0xb8;
	[tilespmem:$0x16400] =	vst v63  }
0xcc: {  	_ =	swait.ge [sflag:s9], $0x2000  }
0xcd: {  	[sflag:s9] =	ssyncset.done $0x0  }
0xce: {  	s20 =	sadd.s32 $0x3000, s22;
	[sflag:s9] =	ssyncadd.s32 $0xFFFFE000  }
0xcf: {  	[hbm4b:s20+s2] =	stream.linear.scatter [tilespmem:s1], [sflag:$0xD], $0x2000, $0x38;
	[tilespmem:$0x16400] =	vst v63  }
0xd0: {  	_ =	swait.ge [sflag:s10], $0x2000  }
0xd1: {  	[sflag:s10] =	ssyncset.done $0x0  }
0xd2: {  	s20 =	sadd.s32 $0xFFFFFF80, s5;
	[sflag:s10] =	ssyncadd.s32 $0xFFFFE000  }
0xd3: {  	[tilespmem:s25], [sflag:$0x2] =	stream.indirect.gather [hbm4b:s3+s23], $0x80, s20, s23, $0xb8;
	[tilespmem:$0x16400] =	vst v63  }
0xd4: {  	_ =	swait.ge [sflag:s11], $0x2000  }
0xd5: {  	[sflag:s11] =	ssyncset.done $0x0  }
0xd6: {  	s20 =	sadd.s32 $0x3400, s22;
	[sflag:s11] =	ssyncadd.s32 $0xFFFFE000  }
0xd7: {  	[hbm4b:s20+s2] =	stream.linear.scatter [tilespmem:s29], [sflag:$0xE], $0x2000, $0x38;
	[tilespmem:$0x16400] =	vst v63  }
0xd8: {  	_ =	swait.ge [sflag:s12], $0x2000  }
0xd9: {  	[sflag:s12] =	ssyncset.done $0x0  }
0xda: {  	s20 =	sadd.s32 $0xFFFFFFC0, s5;
	[sflag:s12] =	ssyncadd.s32 $0xFFFFE000  }
0xdb: {  	[tilespmem:s28], [sflag:$0x3] =	stream.indirect.gather [hbm4b:s3+s23], $0x80, s20, s23, $0xb8;
	[tilespmem:$0x16400] =	vst v63  }
0xdc: {  	_ =	swait.ge [sflag:s13], $0x2000  }
0xdd: {  	[sflag:s13] =	ssyncset.done $0x0  }
0xde: {  	s20 =	sadd.s32 $0x3800, s22;
	[sflag:s13] =	ssyncadd.s32 $0xFFFFE000  }
0xdf: {  	[hbm4b:s20+s2] =	stream.linear.scatter [tilespmem:s26], [sflag:$0xF], $0x2000, $0x38;
	[tilespmem:$0x16400] =	vst v63  }
0xe0: {  	_ =	swait.ge [sflag:s14], $0x2000  }
0xe1: {  	p0 =	sne.s32 s21, $0x5E000;
	[sflag:s14] =	ssyncset.done $0x0  }
.Ltmp0:
0xe2: {  	[sflag:s14] =	ssyncadd.s32 $0xFFFFE000;
	(pc) =	sbr.rel @p0 .LBB2_2-.Ltmp0, $4  }
0xe3: {  	[tilespmem:s30], [sflag:$0x4] =	stream.indirect.gather [hbm4b:s3+s23], $0x80, s5, s23, $0xb8;
	[tilespmem:$0x16400] =	vst v63  }
0xe4: {  	_ =	swait.ge [sflag:s15], $0x2000  }
0xe5: {  	s21 =	sadd.s32 $0x2000, s21;
	[sflag:s15] =	ssyncset.done $0x0  }
0xe6: {  	s22 =	sadd.s32 $0x3C00, s22;
	s5 =	sadd.s32 $0x200, s5;
	[sflag:s15] =	ssyncadd.s32 $0xFFFFE000  }
0xe7: {  	[hbm4b:s22+s2] =	stream.linear.scatter [tilespmem:s6], [sflag:$0x10], $0x2000, $0x38;
	[tilespmem:$0x16400] =	vst v63  }
0xe8: {  	_ =	swait.ge [sflag:s16], $0x2000  }
0xe9: {  	[sflag:s16] =	ssyncset.done $0x0  }
0xea: {  	s5 =	simm.s32 $0x6300;
	[sflag:s16] =	ssyncadd.s32 $0xFFFFE000  }
0xeb: {  	[tilespmem:s1], [sflag:$0x5] =	stream.indirect.gather [hbm4b:s3+s23], $0x80, s5, s23, $0xb8;
	[tilespmem:$0x16400] =	vst v63  }
0xec: {  	_ =	swait.ge [sflag:s0], $0x2000  }
0xed: {  	[sflag:s0] =	ssyncset.done $0x0  }
0xee: {  	s20 =	rddreg [dreg:$0xe];
	[sflag:s0] =	ssyncadd.s32 $0xFFFFE000  }
0xef: {  	[hbm4b:s20+s2] =	stream.linear.scatter [tilespmem:s24], [sflag:$0x9], $0x2000, $0x38;
	[tilespmem:$0x16400] =	vst v63  }
0xf0: {  	_ =	swait.ge [sflag:s17], $0x2000  }
0xf1: {  	[sflag:s17] =	ssyncset.done $0x0  }
0xf2: {  	s21 =	simm.s32 $0x6340;
	[sflag:s17] =	ssyncadd.s32 $0xFFFFE000  }
0xf3: {  	[tilespmem:s29], [sflag:$0x6] =	stream.indirect.gather [hbm4b:s3+s23], $0x80, s21, s23, $0xb8;
	[tilespmem:$0x16400] =	vst v63  }
0xf4: {  	_ =	swait.ge [sflag:s31], $0x2000  }
0xf5: {  	[sflag:s31] =	ssyncset.done $0x0  }
0xf6: {  	s22 =	rddreg [dreg:$0xf];
	[sflag:s31] =	ssyncadd.s32 $0xFFFFE000  }
0xf7: {  	[hbm4b:s22+s2] =	stream.linear.scatter [tilespmem:s25], [sflag:$0xA], $0x2000, $0x38;
	[tilespmem:$0x16400] =	vst v63  }
0xf8: {  	_ =	swait.ge [sflag:s18], $0x2000  }
0xf9: {  	[sflag:s18] =	ssyncset.done $0x0  }
0xfa: {  	s20 =	simm.s32 $0x6380;
	[sflag:s18] =	ssyncadd.s32 $0xFFFFE000  }
0xfb: {  	[tilespmem:s26], [sflag:$0x7] =	stream.indirect.gather [hbm4b:s3+s23], $0x80, s20, s23, $0xb8;
	[tilespmem:$0x16400] =	vst v63  }
0xfc: {  	_ =	swait.ge [sflag:s4], $0x2000  }
0xfd: {  	[sflag:s4] =	ssyncset.done $0x0  }
0xfe: {  	s21 =	rddreg [dreg:$0x10];
	[sflag:s4] =	ssyncadd.s32 $0xFFFFE000  }
0xff: {  	[hbm4b:s21+s2] =	stream.linear.scatter [tilespmem:s28], [sflag:$0xB], $0x2000, $0x38;
	[tilespmem:$0x16400] =	vst v63  }
0x100: {  	_ =	swait.ge [sflag:s19], $0x2000  }
0x101: {  	[sflag:s19] =	ssyncset.done $0x0  }
0x102: {  	s22 =	simm.s32 $0x63C0;
	[sflag:s19] =	ssyncadd.s32 $0xFFFFE000  }
0x103: {  	[tilespmem:s6], [sflag:$0x8] =	stream.indirect.gather [hbm4b:s3+s23], $0x80, s22, s23, $0xb8;
	[tilespmem:$0x16400] =	vst v63  }
0x104: {  	_ =	swait.ge [sflag:s7], $0x2000  }
0x105: {  	[sflag:s7] =	ssyncset.done $0x0  }
0x106: {  	s20 =	rddreg [dreg:$0x11];
	[sflag:s7] =	ssyncadd.s32 $0xFFFFE000  }
0x107: {  	[hbm4b:s20+s2] =	stream.linear.scatter [tilespmem:s30], [sflag:$0xC], $0x2000, $0x38;
	[tilespmem:$0x16400] =	vst v63  }
0x108: {  	_ =	swait.ge [sflag:s9], $0x2000  }
0x109: {  	[sflag:s9] =	ssyncset.done $0x0  }
0x10a: {  	s21 =	rddreg [dreg:$0x12];
	[sflag:s9] =	ssyncadd.s32 $0xFFFFE000  }
0x10b: {  	[hbm4b:s21+s2] =	stream.linear.scatter [tilespmem:s1], [sflag:$0xD], $0x2000, $0x38;
	[tilespmem:$0x16400] =	vst v63  }
0x10c: {  	_ =	swait.ge [sflag:s11], $0x2000  }
0x10d: {  	[sflag:s11] =	ssyncset.done $0x0  }
0x10e: {  	s22 =	rddreg [dreg:$0x13];
	[sflag:s11] =	ssyncadd.s32 $0xFFFFE000  }
0x10f: {  	[hbm4b:s22+s2] =	stream.linear.scatter [tilespmem:s29], [sflag:$0xE], $0x2000, $0x38;
	[tilespmem:$0x16400] =	vst v63  }
0x110: {  	_ =	swait.ge [sflag:s13], $0x2000  }
0x111: {  	[sflag:s13] =	ssyncset.done $0x0  }
0x112: {  	s20 =	rddreg [dreg:$0x14];
	[sflag:s13] =	ssyncadd.s32 $0xFFFFE000  }
0x113: {  	[hbm4b:s20+s2] =	stream.linear.scatter [tilespmem:s26], [sflag:$0xF], $0x2000, $0x38;
	[tilespmem:$0x16400] =	vst v63  }
0x114: {  	_ =	swait.ge [sflag:s15], $0x2000  }
0x115: {  	[sflag:s15] =	ssyncset.done $0x0  }
0x116: {  	s21 =	rddreg [dreg:$0x15];
	[sflag:s15] =	ssyncadd.s32 $0xFFFFE000  }
0x117: {  	[hbm4b:s21+s2] =	stream.linear.scatter [tilespmem:s6], [sflag:$0x10], $0x2000, $0x38;
	[tilespmem:$0x16400] =	vst v63  }
0x118: {  	_ =	swait.ge [sflag:s8], $0x2000  }
0x119: {  	[sflag:s8] =	ssyncset.done $0x0  }
0x11a: {  	[sflag:s8] =	ssyncadd.s32 $0xFFFFE000  }
0x11b: {  	_ =	swait.ge [sflag:s10], $0x2000  }
0x11c: {  	[sflag:s10] =	ssyncset.done $0x0  }
0x11d: {  	[sflag:s10] =	ssyncadd.s32 $0xFFFFE000  }
0x11e: {  	_ =	swait.ge [sflag:s12], $0x2000  }
0x11f: {  	[sflag:s12] =	ssyncset.done $0x0  }
0x120: {  	[sflag:s12] =	ssyncadd.s32 $0xFFFFE000  }
0x121: {  	_ =	swait.ge [sflag:s14], $0x2000  }
0x122: {  	[sflag:s14] =	ssyncset.done $0x0  }
0x123: {  	[sflag:s14] =	ssyncadd.s32 $0xFFFFE000  }
0x124: {  	_ =	swait.ge [sflag:s16], $0x2000  }
0x125: {  	[sflag:s16] =	ssyncset.done $0x0  }
0x126: {  	[sflag:s16] =	ssyncadd.s32 $0xFFFFE000  }
0x127: {  	_ =	swait.ge [sflag:s17], $0x2000  }
0x128: {  	[sflag:s17] =	ssyncset.done $0x0  }
0x129: {  	[sflag:s17] =	ssyncadd.s32 $0xFFFFE000  }
0x12a: {  	_ =	swait.ge [sflag:s18], $0x2000  }
0x12b: {  	[sflag:s18] =	ssyncset.done $0x0  }
0x12c: {  	[sflag:s18] =	ssyncadd.s32 $0xFFFFE000  }
0x12d: {  	_ =	swait.ge [sflag:s19], $0x2000  }
0x12e: {  	s20 =	rddreg [dreg:$0x17]  }
0x12f: {  	s22 =	rddreg [dreg:$0x16];
	s20 =	sadd.s32 $0x1, s20  }
0x130: {  	p0 =	sne.s32 s20, s22  }
.Ltmp1:
0x131: {  	_ = 	snop;
	(pc) =	sbr.rel @p0 .LBB2_1-.Ltmp1, $3  }
0x132: {  	_ =	sdelay $0x1  }
0x133: {  	[sflag:s19] =	ssyncset.done $0x0  }
0x134: {  	[sflag:s19] =	ssyncadd.s32 $0xFFFFE000  }
0x135: {  	_ =	sfence.sel $0x180000  }
0x136: {  	[bflag:$0x0] =	sbarrier.arrive $0xFFFF  }
0x137: {  	_ =	strace $0x90000047  }
0x138: {  	s0 =	stileid.u32;
	[bflag:$0x2] =	sbarrier.arrive $0xFFFF  }
0x139: {  	p0 =	sne.s32 s0, $0x0;
	s0 =	rddreg [dreg:$0x2]  }
0x13a: {  	s0 =	sadd.s32 @!p0 $0x100000, s0  }
0x13b: {  	[sflag:s0] =	ssyncadd.tile.s32 @!p0 $0x1;
	_ =	shalt  }
.Lfunc_end2:
_tile_overlayer_lowered:
.L_overlay_start_2:
0x13c: {  	(tag) =	ssettag $0x2  }
0x13d: {  	s0 =	rddreg [dreg:$0x0];
	s2 =	stileid.u32  }
0x13e: {  	s1 =	rddreg [dreg:$0x1];
	p0 =	sne.s32 s2, $0x0  }
0x13f: {  	s3 =	rddreg [dreg:$0x2];
	[bflag:$0x3] =	sbarrier.arrive $0xFFFF;
	s2 =	simm.s32 @!p0 $0x1C11  }
0x140: {  	[timem:s3], [sflag:s2] =	dma.local @!p0 [hbm:s0], s1  }
0x141: {  	s0 =	simm.s32 @!p0 $0x11  }
0x142: {  	_ =	swait.ge @!p0 [sflag:s0], s1  }
0x143: {  	s1 =	ssub.s32 @!p0 $0x0, s1;
	[sflag:s0] =	ssyncset.done @!p0 $0x0  }
0x144: {  	[sflag:s0] =	ssyncadd.s32 @!p0 s1  }
0x145: {  	[bflag:$0x3] =	sbarrier.arrive $0xFFFF  }
0x146: {  	_ =	shalt  }

</sc_bundles>
